<compile_context>
chip_gen: v7x
topology: tpu7x:2x2x1
jax: 0.10.2.dev20260603
libtpu: 0.0.44.dev20260713+nightly
codegen_flags: <defaults>
</compile_context>

<pallas_src>
import functools

import jax
import jax.numpy as jnp
from jax import lax
from jax.experimental import pallas as pl
from jax.experimental.pallas import tpu as pltpu
from jax.experimental.pallas import tpu_sc as plsc


def _sc_segment_sum(xP, srcs2, dst2, zA, zC, onesK, *, N, E, H, K):
    info = plsc.get_sparse_core_info()
    NC, NS = info.num_cores, info.num_subcores
    NB = E // K
    bpw = NB // NS
    nx = NB - bpw * NS
    rA = ((N + NS - 1) // NS + 7) // 8 * 8
    rB = N - rA * (NS - 1)
    assert bpw % 2 == 0 and rB > 0 and rB % 8 == 0

    mesh = plsc.VectorSubcoreMesh(core_axis_name="c", subcore_axis_name="s")

    @functools.partial(
        pl.kernel,
        out_type=(jax.ShapeDtypeStruct((NC * N, H), jnp.float32),
                  jax.ShapeDtypeStruct((N, 16), jnp.float32)),
        mesh=mesh,
        scratch_types=[
            pltpu.VMEM((bpw + 1, K), jnp.int32),
            pltpu.VMEM((bpw + 1, K), jnp.int32),
            pltpu.VMEM((K, H), jnp.float32),
            pltpu.VMEM((K, H), jnp.float32),
            pltpu.VMEM((K, 16), jnp.float32),
            pltpu.VMEM_SHARED((N, H), jnp.float32),
            pltpu.VMEM_SHARED((N, 16), jnp.float32),
            pltpu.SemaphoreType.DMA,
            pltpu.SemaphoreType.DMA,
            pltpu.SemaphoreType.DMA,
            pltpu.SemaphoreType.DMA,
            pltpu.SemaphoreType.DMA,
        ],
        compiler_params=pltpu.CompilerParams(use_tc_tiling_on_sc=False),
    )
    def sc_agg(xp_hbm, src_hbm, dst_hbm, za_hbm, zc_hbm, ones_hbm,
               out_hbm, cnt_hbm,
               si, di, rows0, rows1, onesv, acc, cnt,
               gsem0, gsem1, ssem0, ssem1, csem):
        c = lax.axis_index("c")
        s = lax.axis_index("s")

        r0 = s * rA
        azeroA = pltpu.make_async_copy(za_hbm.at[pl.ds(0, rA)],
                                       acc.at[pl.ds(r0, rA)], ssem0)
        azeroB = pltpu.make_async_copy(za_hbm.at[pl.ds(0, rB)],
                                       acc.at[pl.ds((NS - 1) * rA, rB)],
                                       ssem0)

        @pl.when(s < NS - 1)
        def _():
            azeroA.start()

        @pl.when(s == NS - 1)
        def _():
            azeroB.start()

        b0 = s * bpw
        pltpu.async_copy(src_hbm.at[pl.ds(b0, bpw)], si.at[pl.ds(0, bpw)],
                         gsem0)
        pltpu.async_copy(dst_hbm.at[pl.ds(b0, bpw)], di.at[pl.ds(0, bpw)],
                         gsem1)

        czeroA = pltpu.make_async_copy(zc_hbm.at[pl.ds(0, rA)],
                                       cnt.at[pl.ds(r0, rA)], csem)
        czeroB = pltpu.make_async_copy(zc_hbm.at[pl.ds(0, rB)],
                                       cnt.at[pl.ds((NS - 1) * rA, rB)],
                                       csem)

        @pl.when((c == 0) & (s < NS - 1))
        def _():
            czeroA.start()

        @pl.when((c == 0) & (s == NS - 1))
        def _():
            czeroB.start()

        @pl.when(c == 0)
        def _():
            pltpu.sync_copy(ones_hbm, onesv)

        pltpu.make_async_copy(src_hbm.at[pl.ds(b0, bpw)],
                              si.at[pl.ds(0, bpw)], gsem0).wait()
        pltpu.make_async_copy(dst_hbm.at[pl.ds(b0, bpw)],
                              di.at[pl.ds(0, bpw)], gsem1).wait()

        @pl.when(s < nx)
        def _():
            xb = NB - nx + s
            pltpu.sync_copy(src_hbm.at[pl.ds(xb, 1)], si.at[pl.ds(bpw, 1)])
            pltpu.sync_copy(dst_hbm.at[pl.ds(xb, 1)], di.at[pl.ds(bpw, 1)])

        def remap(jb, carry):
            for t in range(K // 16):
                v = si[jb, pl.ds(t * 16, 16)]
                si[jb, pl.ds(t * 16, 16)] = v * 2 + c
            return carry

        lax.fori_loop(0, bpw + 1, remap, 0, unroll=False)

        @pl.when(s < NS - 1)
        def _():
            azeroA.wait()

        @pl.when(s == NS - 1)
        def _():
            azeroB.wait()

        @pl.when((c == 0) & (s < NS - 1))
        def _():
            czeroA.wait()

        @pl.when((c == 0) & (s == NS - 1))
        def _():
            czeroB.wait()

        plsc.subcore_barrier()

        rows = (rows0, rows1)
        gsem = (gsem0, gsem1)
        ssem = (ssem0, ssem1)

        pltpu.async_copy(xp_hbm.at[si.at[0]], rows0, gsem0)

        def step(j, k):
            @pl.when(j >= 1)
            def _():
                pltpu.make_async_copy(
                    rows[1 - k], acc.at[di.at[0]], ssem[1 - k]).wait()

            @pl.when(j + 1 < bpw)
            def _():
                pltpu.async_copy(xp_hbm.at[si.at[j + 1]], rows[1 - k],
                                 gsem[1 - k])

            pltpu.make_async_copy(xp_hbm.at[si.at[0]], rows[k],
                                  gsem[k]).wait()
            pltpu.async_copy(rows[k], acc.at[di.at[j]], ssem[k], add=True)

            @pl.when((c == 0) & (j >= 1))
            def _():
                pltpu.make_async_copy(onesv, cnt.at[di.at[0]], csem).wait()

            @pl.when(c == 0)
            def _():
                pltpu.async_copy(onesv, cnt.at[di.at[j]], csem, add=True)

        def body(g, carry):
            step(2 * g, 0)
            step(2 * g + 1, 1)
            return carry

        lax.fori_loop(0, bpw // 2, body, 0, unroll=False)

        pltpu.make_async_copy(rows1, acc.at[di.at[0]], ssem1).wait()

        @pl.when(c == 0)
        def _():
            pltpu.make_async_copy(onesv, cnt.at[di.at[0]], csem).wait()

        @pl.when(s < nx)
        def _():
            pltpu.async_copy(xp_hbm.at[si.at[bpw]], rows0, gsem0).wait()
            pltpu.async_copy(rows0, acc.at[di.at[bpw]], ssem0,
                             add=True).wait()

            @pl.when(c == 0)
            def _():
                pltpu.async_copy(onesv, cnt.at[di.at[bpw]], csem,
                                 add=True).wait()

        plsc.subcore_barrier()

        @pl.when(s < NS - 1)
        def _():
            pltpu.sync_copy(acc.at[pl.ds(s * rA, rA)],
                            out_hbm.at[pl.ds(c * N + s * rA, rA)])

        @pl.when(s == NS - 1)
        def _():
            pltpu.sync_copy(acc.at[pl.ds((NS - 1) * rA, rB)],
                            out_hbm.at[pl.ds(c * N + (NS - 1) * rA, rB)])

        @pl.when((c == 0) & (s < NS - 1))
        def _():
            pltpu.sync_copy(cnt.at[pl.ds(s * rA, rA)],
                            cnt_hbm.at[pl.ds(s * rA, rA)])

        @pl.when((c == 0) & (s == NS - 1))
        def _():
            pltpu.sync_copy(cnt.at[pl.ds((NS - 1) * rA, rB)],
                            cnt_hbm.at[pl.ds((NS - 1) * rA, rB)])

    return sc_agg(xP, srcs2, dst2, zA, zC, onesK)


def _tc_dense(x, agg2, cnt, W_self, WnT, WnB, b2, *, N, D, B):
    H = D // 2

    def dot3(a, w):
        ah = a.astype(jnp.bfloat16)
        al = (a - ah.astype(jnp.float32)).astype(jnp.bfloat16)
        wh = w.astype(jnp.bfloat16)
        wl = (w - wh.astype(jnp.float32)).astype(jnp.bfloat16)
        dn = (((1,), (0,)), ((), ()))
        f = functools.partial(lax.dot_general, dimension_numbers=dn,
                              preferred_element_type=jnp.float32)
        return f(ah, wh) + f(al, wh) + f(ah, wl)

    def body(x_ref, al_ref, ar_ref, cnt_ref, ws_ref, wt_ref, wb_ref,
             b_ref, out_ref):
        r = 1.0 / jnp.maximum(cnt_ref[:, :1], 1.0)
        acc = dot3(x_ref[...], ws_ref[...])
        acc += dot3(al_ref[...] * r, wt_ref[...])
        acc += dot3(ar_ref[...] * r, wb_ref[...])
        out_ref[...] = acc + b_ref[...]

    nb = N // B
    return pl.pallas_call(
        body,
        grid=(nb,),
        in_specs=[
            pl.BlockSpec((B, D), lambda i: (i, 0)),
            pl.BlockSpec((B, H), lambda i: (i, 0)),
            pl.BlockSpec((B, H), lambda i: (nb + i, 0)),
            pl.BlockSpec((B, 16), lambda i: (i, 0)),
            pl.BlockSpec((D, D), lambda i: (0, 0)),
            pl.BlockSpec((H, D), lambda i: (0, 0)),
            pl.BlockSpec((H, D), lambda i: (0, 0)),
            pl.BlockSpec((1, D), lambda i: (0, 0)),
        ],
        out_specs=pl.BlockSpec((B, D), lambda i: (i, 0)),
        out_shape=jax.ShapeDtypeStruct((N, D), jnp.float32),
    )(x, agg2, agg2, cnt, W_self, WnT, WnB, b2)


def kernel(x, edge_index, W_self, W_neigh, b):
    N, D = x.shape
    E = edge_index.shape[1]
    H = D // 2
    K = 64
    NS = 16
    rA = ((N + NS - 1) // NS + 7) // 8 * 8

    xP = x.reshape(2 * N, H)
    srcs2 = edge_index[0].reshape(E // K, K)
    dst2 = edge_index[1].reshape(E // K, K)
    zA = jnp.zeros((rA, H), jnp.float32)
    zC = jnp.zeros((rA, 16), jnp.float32)
    onesK = jnp.ones((K, 16), jnp.float32)

    agg2, cnt = _sc_segment_sum(xP, srcs2, dst2, zA, zC, onesK,
                                N=N, E=E, H=H, K=K)

    WnT = W_neigh[:H, :]
    WnB = W_neigh[H:, :]
    b2 = b.reshape(1, D)

    return _tc_dense(x, agg2, cnt, W_self, WnT, WnB, b2, N=N, D=D, B=2000)

# --- scband reference (transcript-rebuilt; emitter-appended) ---
"""Pipeline reference for scband-sage-conv-87960930222691 (READ-ONLY COPY).

The authoritative reference and input builder live on the scoring server;
editing this copy changes nothing except your own understanding.
"""

import jax, jax.numpy as jnp
import numpy as np

N = 10000
E = 160000
D = 256

def setup_inputs(seed: int = 0) -> dict:
    key = jax.random.key(seed)
    k1, k2, k3, k4 = jax.random.split(key, 4)
    x = jax.random.normal(k1, (N, D), dtype=jnp.float32)
    edge_index = jax.random.randint(k2, (2, E), 0, N, dtype=jnp.int32)
    W_self = jax.random.normal(k3, (D, D), dtype=jnp.float32) / np.sqrt(D)
    W_neigh = jax.random.normal(k4, (D, D), dtype=jnp.float32) / np.sqrt(D)
    b = jnp.zeros((D,), dtype=jnp.float32)
    return {"x": x, "edge_index": edge_index, "W_self": W_self, "W_neigh": W_neigh, "b": b}

def reference(x, edge_index, W_self, W_neigh, b):
    # GraphSAGE with mean aggregation:
    # h_i = x_i @ W_self + mean_{j in N(i)} x_j @ W_neigh + b
    src = edge_index[0]
    dst = edge_index[1]
    msg = jnp.take(x, src, axis=0)                      # gather: [E, D]
    agg = jax.ops.segment_sum(msg, dst, num_segments=N) # scatter-add: [N, D]
    cnt = jax.ops.segment_sum(jnp.ones((E,), dtype=jnp.float32), dst, num_segments=N)
    agg = agg / jnp.clip(cnt, 1.0, None)[:, None]       # mean
    out = x @ W_self + agg @ W_neigh + b
    return out

if __name__ == "__main__":
    import jax
    _d = setup_inputs()
    print(jax.jit(kernel)(*tuple(_d.values())))

</pallas_src>

<mosaic_0001>
#map = affine_map<(d0, d1) -> (0, 0)>
module attributes {stable_mosaic.version = 14 : i64} {
  func.func @sc_agg(%arg0: i32, %arg1: i32, %arg2: memref<20000x128xf32, #tpu.memory_space<hbm>>, %arg3: memref<2500x64xi32, #tpu.memory_space<hbm>>, %arg4: memref<2500x64xi32, #tpu.memory_space<hbm>>, %arg5: memref<632x128xf32, #tpu.memory_space<hbm>>, %arg6: memref<632x16xf32, #tpu.memory_space<hbm>>, %arg7: memref<64x16xf32, #tpu.memory_space<hbm>>, %arg8: memref<20000x128xf32, #tpu.memory_space<hbm>>, %arg9: memref<10000x16xf32, #tpu.memory_space<hbm>>, %arg10: memref<157x64xi32, #tpu.memory_space<vmem>>, %arg11: memref<157x64xi32, #tpu.memory_space<vmem>>, %arg12: memref<64x128xf32, #tpu.memory_space<vmem>>, %arg13: memref<64x128xf32, #tpu.memory_space<vmem>>, %arg14: memref<64x16xf32, #tpu.memory_space<vmem>>, %arg15: memref<10000x128xf32, #tpu.memory_space<vmem_shared>>, %arg16: memref<10000x16xf32, #tpu.memory_space<vmem_shared>>, %arg17: memref<!tpu.dma_semaphore, #tpu.memory_space<semaphore_mem>>, %arg18: memref<!tpu.dma_semaphore, #tpu.memory_space<semaphore_mem>>, %arg19: memref<!tpu.dma_semaphore, #tpu.memory_space<semaphore_mem>>, %arg20: memref<!tpu.dma_semaphore, #tpu.memory_space<semaphore_mem>>, %arg21: memref<!tpu.dma_semaphore, #tpu.memory_space<semaphore_mem>>) attributes {dimension_semantics = [#tpu.dimension_semantics<core_parallel>, #tpu.dimension_semantics<subcore_parallel>], iteration_bounds = array<i64: 2, 16>, scalar_prefetch = 0 : i64, scratch_operands = 12 : i64, tpu.core_type = #tpu.core_type<sc_vector_subcore>, window_params = [{transform_indices = #map}, {transform_indices = #map}, {transform_indices = #map}, {transform_indices = #map}, {transform_indices = #map}, {transform_indices = #map}, {transform_indices = #map}, {transform_indices = #map}]} {
    %mul3A = arith.constant 632 : i32
    %mul3A_0 = arith.muli %arg1, %mul3A : i32
    %lt3A = arith.constant 15 : i32
    %lt3A_1 = arith.cmpi slt, %arg1, %lt3A : i32
    %convert_element_type3A = arith.extui %lt3A_1 : i1 to i32
    %cond3A = arith.constant 0 : i32
    %cond3A_2 = arith.cmpi ne, %convert_element_type3A, %cond3A : i32
    scf.if %cond3A_2 {
      %dma_start3A_160 = arith.constant 0 : i32
      %dma_start3A_161 = tpu.memref_slice %arg15[%mul3A_0, %dma_start3A_160] : memref<10000x128xf32, #tpu.memory_space<vmem_shared>> -> memref<632x128xf32, #tpu.memory_space<vmem_shared>>
      %dma_start3A_162 = arith.constant 0 : i32
      %dma_start3A_163 = arith.constant 0 : i32
      %dma_start3A_164 = tpu.memref_slice %arg5[%dma_start3A_162, %dma_start3A_163] : memref<632x128xf32, #tpu.memory_space<hbm>> -> memref<632x128xf32, #tpu.memory_space<hbm>>
      tpu.enqueue_dma source(%dma_start3A_164 : memref<632x128xf32, #tpu.memory_space<hbm>>) target(%dma_start3A_161 : memref<632x128xf32, #tpu.memory_space<vmem_shared>>) target_semaphore(%arg19 : memref<!tpu.dma_semaphore, #tpu.memory_space<semaphore_mem>>)
    } else {
    }
    %eq3A = arith.constant 15 : i32
    %eq3A_3 = arith.cmpi eq, %arg1, %eq3A : i32
    %convert_element_type3A_4 = arith.extui %eq3A_3 : i1 to i32
    %cond3A_5 = arith.constant 0 : i32
    %cond3A_6 = arith.cmpi ne, %convert_element_type3A_4, %cond3A_5 : i32
    scf.if %cond3A_6 {
      %dma_start3A_160 = arith.constant 9480 : i32
      %dma_start3A_161 = arith.constant 0 : i32
      %dma_start3A_162 = tpu.memref_slice %arg15[%dma_start3A_160, %dma_start3A_161] : memref<10000x128xf32, #tpu.memory_space<vmem_shared>> -> memref<520x128xf32, #tpu.memory_space<vmem_shared>>
      %dma_start3A_163 = arith.constant 0 : i32
      %dma_start3A_164 = arith.constant 0 : i32
      %dma_start3A_165 = tpu.memref_slice %arg5[%dma_start3A_163, %dma_start3A_164] : memref<632x128xf32, #tpu.memory_space<hbm>> -> memref<520x128xf32, #tpu.memory_space<hbm>>
      tpu.enqueue_dma source(%dma_start3A_165 : memref<520x128xf32, #tpu.memory_space<hbm>>) target(%dma_start3A_162 : memref<520x128xf32, #tpu.memory_space<vmem_shared>>) target_semaphore(%arg19 : memref<!tpu.dma_semaphore, #tpu.memory_space<semaphore_mem>>)
    } else {
    }
    %mul3A_7 = arith.constant 156 : i32
    %mul3A_8 = arith.muli %arg1, %mul3A_7 : i32
    %dma_start3A = arith.constant 0 : i32
    %dma_start3A_9 = arith.constant 0 : i32
    %dma_start3A_10 = tpu.memref_slice %arg10[%dma_start3A, %dma_start3A_9] : memref<157x64xi32, #tpu.memory_space<vmem>> -> memref<156x64xi32, #tpu.memory_space<vmem>>
    %dma_start3A_11 = arith.constant 0 : i32
    %dma_start3A_12 = tpu.memref_slice %arg3[%mul3A_8, %dma_start3A_11] : memref<2500x64xi32, #tpu.memory_space<hbm>> -> memref<156x64xi32, #tpu.memory_space<hbm>>
    %dma_start3A_13 = arith.constant 0 : i32
    %dma_start3A_14 = arith.constant 0 : i32
    %dma_start3A_15 = tpu.memref_slice %arg10[%dma_start3A_13, %dma_start3A_14] : memref<157x64xi32, #tpu.memory_space<vmem>> -> memref<156x64xi32, #tpu.memory_space<vmem>>
    %dma_start3A_16 = arith.constant 0 : i32
    %dma_start3A_17 = tpu.memref_slice %arg3[%mul3A_8, %dma_start3A_16] : memref<2500x64xi32, #tpu.memory_space<hbm>> -> memref<156x64xi32, #tpu.memory_space<hbm>>
    tpu.enqueue_dma source(%dma_start3A_17 : memref<156x64xi32, #tpu.memory_space<hbm>>) target(%dma_start3A_15 : memref<156x64xi32, #tpu.memory_space<vmem>>) target_semaphore(%arg17 : memref<!tpu.dma_semaphore, #tpu.memory_space<semaphore_mem>>)
    %dma_start3A_18 = arith.constant 0 : i32
    %dma_start3A_19 = arith.constant 0 : i32
    %dma_start3A_20 = tpu.memref_slice %arg11[%dma_start3A_18, %dma_start3A_19] : memref<157x64xi32, #tpu.memory_space<vmem>> -> memref<156x64xi32, #tpu.memory_space<vmem>>
    %dma_start3A_21 = arith.constant 0 : i32
    %dma_start3A_22 = tpu.memref_slice %arg4[%mul3A_8, %dma_start3A_21] : memref<2500x64xi32, #tpu.memory_space<hbm>> -> memref<156x64xi32, #tpu.memory_space<hbm>>
    %dma_start3A_23 = arith.constant 0 : i32
    %dma_start3A_24 = arith.constant 0 : i32
    %dma_start3A_25 = tpu.memref_slice %arg11[%dma_start3A_23, %dma_start3A_24] : memref<157x64xi32, #tpu.memory_space<vmem>> -> memref<156x64xi32, #tpu.memory_space<vmem>>
    %dma_start3A_26 = arith.constant 0 : i32
    %dma_start3A_27 = tpu.memref_slice %arg4[%mul3A_8, %dma_start3A_26] : memref<2500x64xi32, #tpu.memory_space<hbm>> -> memref<156x64xi32, #tpu.memory_space<hbm>>
    tpu.enqueue_dma source(%dma_start3A_27 : memref<156x64xi32, #tpu.memory_space<hbm>>) target(%dma_start3A_25 : memref<156x64xi32, #tpu.memory_space<vmem>>) target_semaphore(%arg18 : memref<!tpu.dma_semaphore, #tpu.memory_space<semaphore_mem>>)
    %eq3A_28 = arith.constant 0 : i32
    %eq3A_29 = arith.cmpi eq, %arg0, %eq3A_28 : i32
    %lt3A_30 = arith.constant 15 : i32
    %lt3A_31 = arith.cmpi slt, %arg1, %lt3A_30 : i32
    %and3A = arith.andi %eq3A_29, %lt3A_31 : i1
    %convert_element_type3A_32 = arith.extui %and3A : i1 to i32
    %cond3A_33 = arith.constant 0 : i32
    %cond3A_34 = arith.cmpi ne, %convert_element_type3A_32, %cond3A_33 : i32
    scf.if %cond3A_34 {
      %dma_start3A_160 = arith.constant 0 : i32
      %dma_start3A_161 = tpu.memref_slice %arg16[%mul3A_0, %dma_start3A_160] : memref<10000x16xf32, #tpu.memory_space<vmem_shared>> -> memref<632x16xf32, #tpu.memory_space<vmem_shared>>
      %dma_start3A_162 = arith.constant 0 : i32
      %dma_start3A_163 = arith.constant 0 : i32
      %dma_start3A_164 = tpu.memref_slice %arg6[%dma_start3A_162, %dma_start3A_163] : memref<632x16xf32, #tpu.memory_space<hbm>> -> memref<632x16xf32, #tpu.memory_space<hbm>>
      tpu.enqueue_dma source(%dma_start3A_164 : memref<632x16xf32, #tpu.memory_space<hbm>>) target(%dma_start3A_161 : memref<632x16xf32, #tpu.memory_space<vmem_shared>>) target_semaphore(%arg21 : memref<!tpu.dma_semaphore, #tpu.memory_space<semaphore_mem>>)
    } else {
    }
    %eq3A_35 = arith.constant 0 : i32
    %eq3A_36 = arith.cmpi eq, %arg0, %eq3A_35 : i32
    %eq3A_37 = arith.constant 15 : i32
    %eq3A_38 = arith.cmpi eq, %arg1, %eq3A_37 : i32
    %and3A_39 = arith.andi %eq3A_36, %eq3A_38 : i1
    %convert_element_type3A_40 = arith.extui %and3A_39 : i1 to i32
    %cond3A_41 = arith.constant 0 : i32
    %cond3A_42 = arith.cmpi ne, %convert_element_type3A_40, %cond3A_41 : i32
    scf.if %cond3A_42 {
      %dma_start3A_160 = arith.constant 9480 : i32
      %dma_start3A_161 = arith.constant 0 : i32
      %dma_start3A_162 = tpu.memref_slice %arg16[%dma_start3A_160, %dma_start3A_161] : memref<10000x16xf32, #tpu.memory_space<vmem_shared>> -> memref<520x16xf32, #tpu.memory_space<vmem_shared>>
      %dma_start3A_163 = arith.constant 0 : i32
      %dma_start3A_164 = arith.constant 0 : i32
      %dma_start3A_165 = tpu.memref_slice %arg6[%dma_start3A_163, %dma_start3A_164] : memref<632x16xf32, #tpu.memory_space<hbm>> -> memref<520x16xf32, #tpu.memory_space<hbm>>
      tpu.enqueue_dma source(%dma_start3A_165 : memref<520x16xf32, #tpu.memory_space<hbm>>) target(%dma_start3A_162 : memref<520x16xf32, #tpu.memory_space<vmem_shared>>) target_semaphore(%arg21 : memref<!tpu.dma_semaphore, #tpu.memory_space<semaphore_mem>>)
    } else {
    }
    %eq3A_43 = arith.constant 0 : i32
    %eq3A_44 = arith.cmpi eq, %arg0, %eq3A_43 : i32
    %convert_element_type3A_45 = arith.extui %eq3A_44 : i1 to i32
    %cond3A_46 = arith.constant 0 : i32
    %cond3A_47 = arith.cmpi ne, %convert_element_type3A_45, %cond3A_46 : i32
    scf.if %cond3A_47 {
      "tpu.region"() ({
        %run_scoped3A = tpu.sem_alloc : memref<!tpu.dma_semaphore, #tpu.memory_space<semaphore_mem>>
        tpu.enqueue_dma source(%arg7 : memref<64x16xf32, #tpu.memory_space<hbm>>) target(%arg14 : memref<64x16xf32, #tpu.memory_space<vmem>>) target_semaphore(%run_scoped3A : memref<!tpu.dma_semaphore, #tpu.memory_space<semaphore_mem>>)
        tpu.wait_dma2 semaphore(%run_scoped3A : memref<!tpu.dma_semaphore, #tpu.memory_space<semaphore_mem>>) src(%arg7 : memref<64x16xf32, #tpu.memory_space<hbm>>) dst(%arg14 : memref<64x16xf32, #tpu.memory_space<vmem>>)
        tpu.yield
      }) : () -> ()
    } else {
    }
    %dma_wait3A = arith.constant 0 : i32
    %dma_wait3A_48 = arith.constant 0 : i32
    %dma_wait3A_49 = tpu.memref_slice %arg10[%dma_wait3A, %dma_wait3A_48] : memref<157x64xi32, #tpu.memory_space<vmem>> -> memref<156x64xi32, #tpu.memory_space<vmem>>
    %dma_wait3A_50 = arith.constant 0 : i32
    %dma_wait3A_51 = tpu.memref_slice %arg3[%mul3A_8, %dma_wait3A_50] : memref<2500x64xi32, #tpu.memory_space<hbm>> -> memref<156x64xi32, #tpu.memory_space<hbm>>
    %dma_wait3A_52 = arith.constant 0 : i32
    %dma_wait3A_53 = arith.constant 0 : i32
    %dma_wait3A_54 = tpu.memref_slice %arg10[%dma_wait3A_52, %dma_wait3A_53] : memref<157x64xi32, #tpu.memory_space<vmem>> -> memref<156x64xi32, #tpu.memory_space<vmem>>
    %dma_wait3A_55 = arith.constant 0 : i32
    %dma_wait3A_56 = tpu.memref_slice %arg3[%mul3A_8, %dma_wait3A_55] : memref<2500x64xi32, #tpu.memory_space<hbm>> -> memref<156x64xi32, #tpu.memory_space<hbm>>
    tpu.wait_dma2 semaphore(%arg17 : memref<!tpu.dma_semaphore, #tpu.memory_space<semaphore_mem>>) src(%dma_wait3A_56 : memref<156x64xi32, #tpu.memory_space<hbm>>) dst(%dma_wait3A_54 : memref<156x64xi32, #tpu.memory_space<vmem>>)
    %dma_wait3A_57 = arith.constant 0 : i32
    %dma_wait3A_58 = arith.constant 0 : i32
    %dma_wait3A_59 = tpu.memref_slice %arg11[%dma_wait3A_57, %dma_wait3A_58] : memref<157x64xi32, #tpu.memory_space<vmem>> -> memref<156x64xi32, #tpu.memory_space<vmem>>
    %dma_wait3A_60 = arith.constant 0 : i32
    %dma_wait3A_61 = tpu.memref_slice %arg4[%mul3A_8, %dma_wait3A_60] : memref<2500x64xi32, #tpu.memory_space<hbm>> -> memref<156x64xi32, #tpu.memory_space<hbm>>
    %dma_wait3A_62 = arith.constant 0 : i32
    %dma_wait3A_63 = arith.constant 0 : i32
    %dma_wait3A_64 = tpu.memref_slice %arg11[%dma_wait3A_62, %dma_wait3A_63] : memref<157x64xi32, #tpu.memory_space<vmem>> -> memref<156x64xi32, #tpu.memory_space<vmem>>
    %dma_wait3A_65 = arith.constant 0 : i32
    %dma_wait3A_66 = tpu.memref_slice %arg4[%mul3A_8, %dma_wait3A_65] : memref<2500x64xi32, #tpu.memory_space<hbm>> -> memref<156x64xi32, #tpu.memory_space<hbm>>
    tpu.wait_dma2 semaphore(%arg18 : memref<!tpu.dma_semaphore, #tpu.memory_space<semaphore_mem>>) src(%dma_wait3A_66 : memref<156x64xi32, #tpu.memory_space<hbm>>) dst(%dma_wait3A_64 : memref<156x64xi32, #tpu.memory_space<vmem>>)
    %lt3A_67 = arith.constant 4 : i32
    %lt3A_68 = arith.cmpi slt, %arg1, %lt3A_67 : i32
    %convert_element_type3A_69 = arith.extui %lt3A_68 : i1 to i32
    %cond3A_70 = arith.constant 0 : i32
    %cond3A_71 = arith.cmpi ne, %convert_element_type3A_69, %cond3A_70 : i32
    scf.if %cond3A_71 {
      %add3A = arith.constant 2496 : i32
      %add3A_160 = arith.addi %add3A, %arg1 : i32
      "tpu.region"() ({
        %run_scoped3A = tpu.sem_alloc : memref<!tpu.dma_semaphore, #tpu.memory_space<semaphore_mem>>
        %dma_start3A_161 = arith.constant 156 : i32
        %dma_start3A_162 = arith.constant 0 : i32
        %dma_start3A_163 = tpu.memref_slice %arg10[%dma_start3A_161, %dma_start3A_162] : memref<157x64xi32, #tpu.memory_space<vmem>> -> memref<1x64xi32, #tpu.memory_space<vmem>>
        %dma_start3A_164 = arith.constant 0 : i32
        %dma_start3A_165 = tpu.memref_slice %arg3[%add3A_160, %dma_start3A_164] : memref<2500x64xi32, #tpu.memory_space<hbm>> -> memref<1x64xi32, #tpu.memory_space<hbm>>
        %dma_start3A_166 = arith.constant 156 : i32
        %dma_start3A_167 = arith.constant 0 : i32
        %dma_start3A_168 = tpu.memref_slice %arg10[%dma_start3A_166, %dma_start3A_167] : memref<157x64xi32, #tpu.memory_space<vmem>> -> memref<1x64xi32, #tpu.memory_space<vmem>>
        %dma_start3A_169 = arith.constant 0 : i32
        %dma_start3A_170 = tpu.memref_slice %arg3[%add3A_160, %dma_start3A_169] : memref<2500x64xi32, #tpu.memory_space<hbm>> -> memref<1x64xi32, #tpu.memory_space<hbm>>
        tpu.enqueue_dma source(%dma_start3A_170 : memref<1x64xi32, #tpu.memory_space<hbm>>) target(%dma_start3A_168 : memref<1x64xi32, #tpu.memory_space<vmem>>) target_semaphore(%run_scoped3A : memref<!tpu.dma_semaphore, #tpu.memory_space<semaphore_mem>>)
        %dma_wait3A_171 = arith.constant 156 : i32
        %dma_wait3A_172 = arith.constant 0 : i32
        %dma_wait3A_173 = tpu.memref_slice %arg10[%dma_wait3A_171, %dma_wait3A_172] : memref<157x64xi32, #tpu.memory_space<vmem>> -> memref<1x64xi32, #tpu.memory_space<vmem>>
        %dma_wait3A_174 = arith.constant 0 : i32
        %dma_wait3A_175 = tpu.memref_slice %arg3[%add3A_160, %dma_wait3A_174] : memref<2500x64xi32, #tpu.memory_space<hbm>> -> memref<1x64xi32, #tpu.memory_space<hbm>>
        %dma_wait3A_176 = arith.constant 156 : i32
        %dma_wait3A_177 = arith.constant 0 : i32
        %dma_wait3A_178 = tpu.memref_slice %arg10[%dma_wait3A_176, %dma_wait3A_177] : memref<157x64xi32, #tpu.memory_space<vmem>> -> memref<1x64xi32, #tpu.memory_space<vmem>>
        %dma_wait3A_179 = arith.constant 0 : i32
        %dma_wait3A_180 = tpu.memref_slice %arg3[%add3A_160, %dma_wait3A_179] : memref<2500x64xi32, #tpu.memory_space<hbm>> -> memref<1x64xi32, #tpu.memory_space<hbm>>
        tpu.wait_dma2 semaphore(%run_scoped3A : memref<!tpu.dma_semaphore, #tpu.memory_space<semaphore_mem>>) src(%dma_wait3A_180 : memref<1x64xi32, #tpu.memory_space<hbm>>) dst(%dma_wait3A_178 : memref<1x64xi32, #tpu.memory_space<vmem>>)
        tpu.yield
      }) : () -> ()
      "tpu.region"() ({
        %run_scoped3A = tpu.sem_alloc : memref<!tpu.dma_semaphore, #tpu.memory_space<semaphore_mem>>
        %dma_start3A_161 = arith.constant 156 : i32
        %dma_start3A_162 = arith.constant 0 : i32
        %dma_start3A_163 = tpu.memref_slice %arg11[%dma_start3A_161, %dma_start3A_162] : memref<157x64xi32, #tpu.memory_space<vmem>> -> memref<1x64xi32, #tpu.memory_space<vmem>>
        %dma_start3A_164 = arith.constant 0 : i32
        %dma_start3A_165 = tpu.memref_slice %arg4[%add3A_160, %dma_start3A_164] : memref<2500x64xi32, #tpu.memory_space<hbm>> -> memref<1x64xi32, #tpu.memory_space<hbm>>
        %dma_start3A_166 = arith.constant 156 : i32
        %dma_start3A_167 = arith.constant 0 : i32
        %dma_start3A_168 = tpu.memref_slice %arg11[%dma_start3A_166, %dma_start3A_167] : memref<157x64xi32, #tpu.memory_space<vmem>> -> memref<1x64xi32, #tpu.memory_space<vmem>>
        %dma_start3A_169 = arith.constant 0 : i32
        %dma_start3A_170 = tpu.memref_slice %arg4[%add3A_160, %dma_start3A_169] : memref<2500x64xi32, #tpu.memory_space<hbm>> -> memref<1x64xi32, #tpu.memory_space<hbm>>
        tpu.enqueue_dma source(%dma_start3A_170 : memref<1x64xi32, #tpu.memory_space<hbm>>) target(%dma_start3A_168 : memref<1x64xi32, #tpu.memory_space<vmem>>) target_semaphore(%run_scoped3A : memref<!tpu.dma_semaphore, #tpu.memory_space<semaphore_mem>>)
        %dma_wait3A_171 = arith.constant 156 : i32
        %dma_wait3A_172 = arith.constant 0 : i32
        %dma_wait3A_173 = tpu.memref_slice %arg11[%dma_wait3A_171, %dma_wait3A_172] : memref<157x64xi32, #tpu.memory_space<vmem>> -> memref<1x64xi32, #tpu.memory_space<vmem>>
        %dma_wait3A_174 = arith.constant 0 : i32
        %dma_wait3A_175 = tpu.memref_slice %arg4[%add3A_160, %dma_wait3A_174] : memref<2500x64xi32, #tpu.memory_space<hbm>> -> memref<1x64xi32, #tpu.memory_space<hbm>>
        %dma_wait3A_176 = arith.constant 156 : i32
        %dma_wait3A_177 = arith.constant 0 : i32
        %dma_wait3A_178 = tpu.memref_slice %arg11[%dma_wait3A_176, %dma_wait3A_177] : memref<157x64xi32, #tpu.memory_space<vmem>> -> memref<1x64xi32, #tpu.memory_space<vmem>>
        %dma_wait3A_179 = arith.constant 0 : i32
        %dma_wait3A_180 = tpu.memref_slice %arg4[%add3A_160, %dma_wait3A_179] : memref<2500x64xi32, #tpu.memory_space<hbm>> -> memref<1x64xi32, #tpu.memory_space<hbm>>
        tpu.wait_dma2 semaphore(%run_scoped3A : memref<!tpu.dma_semaphore, #tpu.memory_space<semaphore_mem>>) src(%dma_wait3A_180 : memref<1x64xi32, #tpu.memory_space<hbm>>) dst(%dma_wait3A_178 : memref<1x64xi32, #tpu.memory_space<vmem>>)
        tpu.yield
      }) : () -> ()
    } else {
    }
    %scan3A = arith.constant 0 : i32
    %scan3A_72 = arith.constant 0 : i32
    %scan3A_73 = arith.constant 157 : i32
    %scan3A_74 = arith.addi %scan3A_72, %scan3A_73 : i32
    %scan3A_75 = arith.constant 1 : i32
    scf.for %scan3A_160 = %scan3A_72 to %scan3A_74 step %scan3A_75  : i32 {
      %get3A = arith.index_cast %scan3A_160 : i32 to index
      %get3A_161 = arith.constant 0 : index
      %get3A_162 = tpu.vector_load %arg10[%get3A, %get3A_161] {strides = array<i32>} : memref<157x64xi32, #tpu.memory_space<vmem>>, vector<1x16xi32>,
      %get3A_163 = vector.shape_cast %get3A_162 : vector<1x16xi32> to vector<16xi32>
      %mul3A_164 = arith.constant 2 : i32
      %mul3A_165 = vector.broadcast %mul3A_164 : i32 to vector<16xi32>
      %mul3A_166 = arith.muli %get3A_163, %mul3A_165 : vector<16xi32>
      %add3A = vector.broadcast %arg0 : i32 to vector<16xi32>
      %add3A_167 = arith.addi %mul3A_166, %add3A : vector<16xi32>
      %swap3A = arith.index_cast %scan3A_160 : i32 to index
      %swap3A_168 = arith.constant 0 : index
      %swap3A_169 = tpu.vector_load %arg10[%swap3A, %swap3A_168] {strides = array<i32>} : memref<157x64xi32, #tpu.memory_space<vmem>>, vector<1x16xi32>,
      %swap3A_170 = vector.shape_cast %swap3A_169 : vector<1x16xi32> to vector<16xi32>
      %swap3A_171 = vector.shape_cast %add3A_167 : vector<16xi32> to vector<1x16xi32>
      tpu.vector_store %arg10[%swap3A, %swap3A_168], %swap3A_171 {strides = array<i32>} : memref<157x64xi32, #tpu.memory_space<vmem>>, vector<1x16xi32>,
      %get3A_172 = arith.index_cast %scan3A_160 : i32 to index
      %get3A_173 = arith.constant 16 : index
      %get3A_174 = tpu.vector_load %arg10[%get3A_172, %get3A_173] {strides = array<i32>} : memref<157x64xi32, #tpu.memory_space<vmem>>, vector<1x16xi32>,
      %get3A_175 = vector.shape_cast %get3A_174 : vector<1x16xi32> to vector<16xi32>
      %mul3A_176 = arith.constant 2 : i32
      %mul3A_177 = vector.broadcast %mul3A_176 : i32 to vector<16xi32>
      %mul3A_178 = arith.muli %get3A_175, %mul3A_177 : vector<16xi32>
      %add3A_179 = vector.broadcast %arg0 : i32 to vector<16xi32>
      %add3A_180 = arith.addi %mul3A_178, %add3A_179 : vector<16xi32>
      %swap3A_181 = arith.index_cast %scan3A_160 : i32 to index
      %swap3A_182 = arith.constant 16 : index
      %swap3A_183 = tpu.vector_load %arg10[%swap3A_181, %swap3A_182] {strides = array<i32>} : memref<157x64xi32, #tpu.memory_space<vmem>>, vector<1x16xi32>,
      %swap3A_184 = vector.shape_cast %swap3A_183 : vector<1x16xi32> to vector<16xi32>
      %swap3A_185 = vector.shape_cast %add3A_180 : vector<16xi32> to vector<1x16xi32>
      tpu.vector_store %arg10[%swap3A_181, %swap3A_182], %swap3A_185 {strides = array<i32>} : memref<157x64xi32, #tpu.memory_space<vmem>>, vector<1x16xi32>,
      %get3A_186 = arith.index_cast %scan3A_160 : i32 to index
      %get3A_187 = arith.constant 32 : index
      %get3A_188 = tpu.vector_load %arg10[%get3A_186, %get3A_187] {strides = array<i32>} : memref<157x64xi32, #tpu.memory_space<vmem>>, vector<1x16xi32>,
      %get3A_189 = vector.shape_cast %get3A_188 : vector<1x16xi32> to vector<16xi32>
      %mul3A_190 = arith.constant 2 : i32
      %mul3A_191 = vector.broadcast %mul3A_190 : i32 to vector<16xi32>
      %mul3A_192 = arith.muli %get3A_189, %mul3A_191 : vector<16xi32>
      %add3A_193 = vector.broadcast %arg0 : i32 to vector<16xi32>
      %add3A_194 = arith.addi %mul3A_192, %add3A_193 : vector<16xi32>
      %swap3A_195 = arith.index_cast %scan3A_160 : i32 to index
      %swap3A_196 = arith.constant 32 : index
      %swap3A_197 = tpu.vector_load %arg10[%swap3A_195, %swap3A_196] {strides = array<i32>} : memref<157x64xi32, #tpu.memory_space<vmem>>, vector<1x16xi32>,
      %swap3A_198 = vector.shape_cast %swap3A_197 : vector<1x16xi32> to vector<16xi32>
      %swap3A_199 = vector.shape_cast %add3A_194 : vector<16xi32> to vector<1x16xi32>
      tpu.vector_store %arg10[%swap3A_195, %swap3A_196], %swap3A_199 {strides = array<i32>} : memref<157x64xi32, #tpu.memory_space<vmem>>, vector<1x16xi32>,
      %get3A_200 = arith.index_cast %scan3A_160 : i32 to index
      %get3A_201 = arith.constant 48 : index
      %get3A_202 = tpu.vector_load %arg10[%get3A_200, %get3A_201] {strides = array<i32>} : memref<157x64xi32, #tpu.memory_space<vmem>>, vector<1x16xi32>,
      %get3A_203 = vector.shape_cast %get3A_202 : vector<1x16xi32> to vector<16xi32>
      %mul3A_204 = arith.constant 2 : i32
      %mul3A_205 = vector.broadcast %mul3A_204 : i32 to vector<16xi32>
      %mul3A_206 = arith.muli %get3A_203, %mul3A_205 : vector<16xi32>
      %add3A_207 = vector.broadcast %arg0 : i32 to vector<16xi32>
      %add3A_208 = arith.addi %mul3A_206, %add3A_207 : vector<16xi32>
      %swap3A_209 = arith.index_cast %scan3A_160 : i32 to index
      %swap3A_210 = arith.constant 48 : index
      %swap3A_211 = tpu.vector_load %arg10[%swap3A_209, %swap3A_210] {strides = array<i32>} : memref<157x64xi32, #tpu.memory_space<vmem>>, vector<1x16xi32>,
      %swap3A_212 = vector.shape_cast %swap3A_211 : vector<1x16xi32> to vector<16xi32>
      %swap3A_213 = vector.shape_cast %add3A_208 : vector<16xi32> to vector<1x16xi32>
      tpu.vector_store %arg10[%swap3A_209, %swap3A_210], %swap3A_213 {strides = array<i32>} : memref<157x64xi32, #tpu.memory_space<vmem>>, vector<1x16xi32>,
    }
    %scan3A_76 = arith.constant 157 : i32
    %lt3A_77 = arith.constant 15 : i32
    %lt3A_78 = arith.cmpi slt, %arg1, %lt3A_77 : i32
    %convert_element_type3A_79 = arith.extui %lt3A_78 : i1 to i32
    %cond3A_80 = arith.constant 0 : i32
    %cond3A_81 = arith.cmpi ne, %convert_element_type3A_79, %cond3A_80 : i32
    scf.if %cond3A_81 {
      %dma_wait3A_160 = arith.constant 0 : i32
      %dma_wait3A_161 = tpu.memref_slice %arg15[%mul3A_0, %dma_wait3A_160] : memref<10000x128xf32, #tpu.memory_space<vmem_shared>> -> memref<632x128xf32, #tpu.memory_space<vmem_shared>>
      %dma_wait3A_162 = arith.constant 0 : i32
      %dma_wait3A_163 = arith.constant 0 : i32
      %dma_wait3A_164 = tpu.memref_slice %arg5[%dma_wait3A_162, %dma_wait3A_163] : memref<632x128xf32, #tpu.memory_space<hbm>> -> memref<632x128xf32, #tpu.memory_space<hbm>>
      tpu.wait_dma2 semaphore(%arg19 : memref<!tpu.dma_semaphore, #tpu.memory_space<semaphore_mem>>) src(%dma_wait3A_164 : memref<632x128xf32, #tpu.memory_space<hbm>>) dst(%dma_wait3A_161 : memref<632x128xf32, #tpu.memory_space<vmem_shared>>)
    } else {
    }
    %eq3A_82 = arith.constant 15 : i32
    %eq3A_83 = arith.cmpi eq, %arg1, %eq3A_82 : i32
    %convert_element_type3A_84 = arith.extui %eq3A_83 : i1 to i32
    %cond3A_85 = arith.constant 0 : i32
    %cond3A_86 = arith.cmpi ne, %convert_element_type3A_84, %cond3A_85 : i32
    scf.if %cond3A_86 {
      %dma_wait3A_160 = arith.constant 9480 : i32
      %dma_wait3A_161 = arith.constant 0 : i32
      %dma_wait3A_162 = tpu.memref_slice %arg15[%dma_wait3A_160, %dma_wait3A_161] : memref<10000x128xf32, #tpu.memory_space<vmem_shared>> -> memref<520x128xf32, #tpu.memory_space<vmem_shared>>
      %dma_wait3A_163 = arith.constant 0 : i32
      %dma_wait3A_164 = arith.constant 0 : i32
      %dma_wait3A_165 = tpu.memref_slice %arg5[%dma_wait3A_163, %dma_wait3A_164] : memref<632x128xf32, #tpu.memory_space<hbm>> -> memref<520x128xf32, #tpu.memory_space<hbm>>
      tpu.wait_dma2 semaphore(%arg19 : memref<!tpu.dma_semaphore, #tpu.memory_space<semaphore_mem>>) src(%dma_wait3A_165 : memref<520x128xf32, #tpu.memory_space<hbm>>) dst(%dma_wait3A_162 : memref<520x128xf32, #tpu.memory_space<vmem_shared>>)
    } else {
    }
    %eq3A_87 = arith.constant 0 : i32
    %eq3A_88 = arith.cmpi eq, %arg0, %eq3A_87 : i32
    %lt3A_89 = arith.constant 15 : i32
    %lt3A_90 = arith.cmpi slt, %arg1, %lt3A_89 : i32
    %and3A_91 = arith.andi %eq3A_88, %lt3A_90 : i1
    %convert_element_type3A_92 = arith.extui %and3A_91 : i1 to i32
    %cond3A_93 = arith.constant 0 : i32
    %cond3A_94 = arith.cmpi ne, %convert_element_type3A_92, %cond3A_93 : i32
    scf.if %cond3A_94 {
      %dma_wait3A_160 = arith.constant 0 : i32
      %dma_wait3A_161 = tpu.memref_slice %arg16[%mul3A_0, %dma_wait3A_160] : memref<10000x16xf32, #tpu.memory_space<vmem_shared>> -> memref<632x16xf32, #tpu.memory_space<vmem_shared>>
      %dma_wait3A_162 = arith.constant 0 : i32
      %dma_wait3A_163 = arith.constant 0 : i32
      %dma_wait3A_164 = tpu.memref_slice %arg6[%dma_wait3A_162, %dma_wait3A_163] : memref<632x16xf32, #tpu.memory_space<hbm>> -> memref<632x16xf32, #tpu.memory_space<hbm>>
      tpu.wait_dma2 semaphore(%arg21 : memref<!tpu.dma_semaphore, #tpu.memory_space<semaphore_mem>>) src(%dma_wait3A_164 : memref<632x16xf32, #tpu.memory_space<hbm>>) dst(%dma_wait3A_161 : memref<632x16xf32, #tpu.memory_space<vmem_shared>>)
    } else {
    }
    %eq3A_95 = arith.constant 0 : i32
    %eq3A_96 = arith.cmpi eq, %arg0, %eq3A_95 : i32
    %eq3A_97 = arith.constant 15 : i32
    %eq3A_98 = arith.cmpi eq, %arg1, %eq3A_97 : i32
    %and3A_99 = arith.andi %eq3A_96, %eq3A_98 : i1
    %convert_element_type3A_100 = arith.extui %and3A_99 : i1 to i32
    %cond3A_101 = arith.constant 0 : i32
    %cond3A_102 = arith.cmpi ne, %convert_element_type3A_100, %cond3A_101 : i32
    scf.if %cond3A_102 {
      %dma_wait3A_160 = arith.constant 9480 : i32
      %dma_wait3A_161 = arith.constant 0 : i32
      %dma_wait3A_162 = tpu.memref_slice %arg16[%dma_wait3A_160, %dma_wait3A_161] : memref<10000x16xf32, #tpu.memory_space<vmem_shared>> -> memref<520x16xf32, #tpu.memory_space<vmem_shared>>
      %dma_wait3A_163 = arith.constant 0 : i32
      %dma_wait3A_164 = arith.constant 0 : i32
      %dma_wait3A_165 = tpu.memref_slice %arg6[%dma_wait3A_163, %dma_wait3A_164] : memref<632x16xf32, #tpu.memory_space<hbm>> -> memref<520x16xf32, #tpu.memory_space<hbm>>
      tpu.wait_dma2 semaphore(%arg21 : memref<!tpu.dma_semaphore, #tpu.memory_space<semaphore_mem>>) src(%dma_wait3A_165 : memref<520x16xf32, #tpu.memory_space<hbm>>) dst(%dma_wait3A_162 : memref<520x16xf32, #tpu.memory_space<vmem_shared>>)
    } else {
    }
    %barrier3A = arith.constant 0 : index
    tpu.barrier barrier_id(%barrier3A)
    %dma_start3A_103 = arith.constant 0 : i32
    %dma_start3A_104 = arith.constant 0 : i32
    %dma_start3A_105 = tpu.memref_slice %arg10[%dma_start3A_103, %dma_start3A_104] : memref<157x64xi32, #tpu.memory_space<vmem>> -> memref<1x64xi32, #tpu.memory_space<vmem>>
    %dma_start3A_106 = tpu.memref_squeeze %dma_start3A_105 : memref<1x64xi32, #tpu.memory_space<vmem>> -> memref<64xi32, #tpu.memory_space<vmem>>
    %dma_start3A_107 = arith.constant 0 : i32
    %dma_start3A_108 = arith.constant 0 : i32
    %dma_start3A_109 = tpu.memref_slice %arg2[%dma_start3A_107, %dma_start3A_108] : memref<20000x128xf32, #tpu.memory_space<hbm>> -> memref<20000x128xf32, #tpu.memory_space<hbm>>
    tpu.enqueue_indirect_dma source(%dma_start3A_109 : memref<20000x128xf32, #tpu.memory_space<hbm>>) target(%arg12 : memref<64x128xf32, #tpu.memory_space<vmem>>) offsets(%dma_start3A_106 : memref<64xi32, #tpu.memory_space<vmem>>) semaphore(%arg17 : memref<!tpu.dma_semaphore, #tpu.memory_space<semaphore_mem>>)
    %scan3A_110 = arith.constant 0 : i32
    %scan3A_111 = arith.constant 0 : i32
    %scan3A_112 = arith.constant 78 : i32
    %scan3A_113 = arith.addi %scan3A_111, %scan3A_112 : i32
    %scan3A_114 = arith.constant 1 : i32
    scf.for %scan3A_160 = %scan3A_111 to %scan3A_113 step %scan3A_114  : i32 {
      %mul3A_161 = arith.constant 2 : i32
      %mul3A_162 = arith.muli %mul3A_161, %scan3A_160 : i32
      %ge3A = arith.constant 1 : i32
      %ge3A_163 = arith.cmpi sge, %mul3A_162, %ge3A : i32
      %convert_element_type3A_164 = arith.extui %ge3A_163 : i1 to i32
      %cond3A_165 = arith.constant 0 : i32
      %cond3A_166 = arith.cmpi ne, %convert_element_type3A_164, %cond3A_165 : i32
      scf.if %cond3A_166 {
        %dma_wait3A_241 = arith.constant 0 : i32
        %dma_wait3A_242 = arith.constant 0 : i32
        %dma_wait3A_243 = tpu.memref_slice %arg11[%dma_wait3A_241, %dma_wait3A_242] : memref<157x64xi32, #tpu.memory_space<vmem>> -> memref<1x64xi32, #tpu.memory_space<vmem>>
        %dma_wait3A_244 = tpu.memref_squeeze %dma_wait3A_243 : memref<1x64xi32, #tpu.memory_space<vmem>> -> memref<64xi32, #tpu.memory_space<vmem>>
        %dma_wait3A_245 = arith.constant 0 : i32
        %dma_wait3A_246 = arith.constant 0 : i32
        %dma_wait3A_247 = tpu.memref_slice %arg15[%dma_wait3A_245, %dma_wait3A_246] : memref<10000x128xf32, #tpu.memory_space<vmem_shared>> -> memref<10000x128xf32, #tpu.memory_space<vmem_shared>>
        tpu.wait_indirect_dma semaphore(%arg20 : memref<!tpu.dma_semaphore, #tpu.memory_space<semaphore_mem>>) src(%arg13 : memref<64x128xf32, #tpu.memory_space<vmem>>) dst(%dma_wait3A_247 : memref<10000x128xf32, #tpu.memory_space<vmem_shared>>)
      } else {
      }
      %add3A = arith.constant 1 : i32
      %add3A_167 = arith.addi %mul3A_162, %add3A : i32
      %lt3A_168 = arith.constant 156 : i32
      %lt3A_169 = arith.cmpi slt, %add3A_167, %lt3A_168 : i32
      %convert_element_type3A_170 = arith.extui %lt3A_169 : i1 to i32
      %cond3A_171 = arith.constant 0 : i32
      %cond3A_172 = arith.cmpi ne, %convert_element_type3A_170, %cond3A_171 : i32
      scf.if %cond3A_172 {
        %add3A_241 = arith.constant 1 : i32
        %add3A_242 = arith.addi %mul3A_162, %add3A_241 : i32
        %dma_start3A_243 = arith.constant 0 : i32
        %dma_start3A_244 = tpu.memref_slice %arg10[%add3A_242, %dma_start3A_243] : memref<157x64xi32, #tpu.memory_space<vmem>> -> memref<1x64xi32, #tpu.memory_space<vmem>>
        %dma_start3A_245 = tpu.memref_squeeze %dma_start3A_244 : memref<1x64xi32, #tpu.memory_space<vmem>> -> memref<64xi32, #tpu.memory_space<vmem>>
        %dma_start3A_246 = arith.constant 0 : i32
        %dma_start3A_247 = arith.constant 0 : i32
        %dma_start3A_248 = tpu.memref_slice %arg2[%dma_start3A_246, %dma_start3A_247] : memref<20000x128xf32, #tpu.memory_space<hbm>> -> memref<20000x128xf32, #tpu.memory_space<hbm>>
        tpu.enqueue_indirect_dma source(%dma_start3A_248 : memref<20000x128xf32, #tpu.memory_space<hbm>>) target(%arg13 : memref<64x128xf32, #tpu.memory_space<vmem>>) offsets(%dma_start3A_245 : memref<64xi32, #tpu.memory_space<vmem>>) semaphore(%arg18 : memref<!tpu.dma_semaphore, #tpu.memory_space<semaphore_mem>>)
      } else {
      }
      %dma_wait3A_173 = arith.constant 0 : i32
      %dma_wait3A_174 = arith.constant 0 : i32
      %dma_wait3A_175 = tpu.memref_slice %arg10[%dma_wait3A_173, %dma_wait3A_174] : memref<157x64xi32, #tpu.memory_space<vmem>> -> memref<1x64xi32, #tpu.memory_space<vmem>>
      %dma_wait3A_176 = tpu.memref_squeeze %dma_wait3A_175 : memref<1x64xi32, #tpu.memory_space<vmem>> -> memref<64xi32, #tpu.memory_space<vmem>>
      %dma_wait3A_177 = arith.constant 0 : i32
      %dma_wait3A_178 = arith.constant 0 : i32
      %dma_wait3A_179 = tpu.memref_slice %arg2[%dma_wait3A_177, %dma_wait3A_178] : memref<20000x128xf32, #tpu.memory_space<hbm>> -> memref<20000x128xf32, #tpu.memory_space<hbm>>
      tpu.wait_indirect_dma semaphore(%arg17 : memref<!tpu.dma_semaphore, #tpu.memory_space<semaphore_mem>>) src(%dma_wait3A_179 : memref<20000x128xf32, #tpu.memory_space<hbm>>) dst(%arg12 : memref<64x128xf32, #tpu.memory_space<vmem>>)
      %dma_start3A_180 = arith.constant 0 : i32
      %dma_start3A_181 = tpu.memref_slice %arg11[%mul3A_162, %dma_start3A_180] : memref<157x64xi32, #tpu.memory_space<vmem>> -> memref<1x64xi32, #tpu.memory_space<vmem>>
      %dma_start3A_182 = tpu.memref_squeeze %dma_start3A_181 : memref<1x64xi32, #tpu.memory_space<vmem>> -> memref<64xi32, #tpu.memory_space<vmem>>
      %dma_start3A_183 = arith.constant 0 : i32
      %dma_start3A_184 = arith.constant 0 : i32
      %dma_start3A_185 = tpu.memref_slice %arg15[%dma_start3A_183, %dma_start3A_184] : memref<10000x128xf32, #tpu.memory_space<vmem_shared>> -> memref<10000x128xf32, #tpu.memory_space<vmem_shared>>
      tpu.enqueue_indirect_dma source(%arg12 : memref<64x128xf32, #tpu.memory_space<vmem>>) target(%dma_start3A_185 : memref<10000x128xf32, #tpu.memory_space<vmem_shared>>) offsets(%dma_start3A_182 : memref<64xi32, #tpu.memory_space<vmem>>) semaphore(%arg19 : memref<!tpu.dma_semaphore, #tpu.memory_space<semaphore_mem>>) {add = true}
      %eq3A_186 = arith.constant 0 : i32
      %eq3A_187 = arith.cmpi eq, %arg0, %eq3A_186 : i32
      %ge3A_188 = arith.constant 1 : i32
      %ge3A_189 = arith.cmpi sge, %mul3A_162, %ge3A_188 : i32
      %and3A_190 = arith.andi %eq3A_187, %ge3A_189 : i1
      %convert_element_type3A_191 = arith.extui %and3A_190 : i1 to i32
      %cond3A_192 = arith.constant 0 : i32
      %cond3A_193 = arith.cmpi ne, %convert_element_type3A_191, %cond3A_192 : i32
      scf.if %cond3A_193 {
        %dma_wait3A_241 = arith.constant 0 : i32
        %dma_wait3A_242 = arith.constant 0 : i32
        %dma_wait3A_243 = tpu.memref_slice %arg11[%dma_wait3A_241, %dma_wait3A_242] : memref<157x64xi32, #tpu.memory_space<vmem>> -> memref<1x64xi32, #tpu.memory_space<vmem>>
        %dma_wait3A_244 = tpu.memref_squeeze %dma_wait3A_243 : memref<1x64xi32, #tpu.memory_space<vmem>> -> memref<64xi32, #tpu.memory_space<vmem>>
        %dma_wait3A_245 = arith.constant 0 : i32
        %dma_wait3A_246 = arith.constant 0 : i32
        %dma_wait3A_247 = tpu.memref_slice %arg16[%dma_wait3A_245, %dma_wait3A_246] : memref<10000x16xf32, #tpu.memory_space<vmem_shared>> -> memref<10000x16xf32, #tpu.memory_space<vmem_shared>>
        tpu.wait_indirect_dma semaphore(%arg21 : memref<!tpu.dma_semaphore, #tpu.memory_space<semaphore_mem>>) src(%arg14 : memref<64x16xf32, #tpu.memory_space<vmem>>) dst(%dma_wait3A_247 : memref<10000x16xf32, #tpu.memory_space<vmem_shared>>)
      } else {
      }
      %eq3A_194 = arith.constant 0 : i32
      %eq3A_195 = arith.cmpi eq, %arg0, %eq3A_194 : i32
      %convert_element_type3A_196 = arith.extui %eq3A_195 : i1 to i32
      %cond3A_197 = arith.constant 0 : i32
      %cond3A_198 = arith.cmpi ne, %convert_element_type3A_196, %cond3A_197 : i32
      scf.if %cond3A_198 {
        %dma_start3A_241 = arith.constant 0 : i32
        %dma_start3A_242 = tpu.memref_slice %arg11[%mul3A_162, %dma_start3A_241] : memref<157x64xi32, #tpu.memory_space<vmem>> -> memref<1x64xi32, #tpu.memory_space<vmem>>
        %dma_start3A_243 = tpu.memref_squeeze %dma_start3A_242 : memref<1x64xi32, #tpu.memory_space<vmem>> -> memref<64xi32, #tpu.memory_space<vmem>>
        %dma_start3A_244 = arith.constant 0 : i32
        %dma_start3A_245 = arith.constant 0 : i32
        %dma_start3A_246 = tpu.memref_slice %arg16[%dma_start3A_244, %dma_start3A_245] : memref<10000x16xf32, #tpu.memory_space<vmem_shared>> -> memref<10000x16xf32, #tpu.memory_space<vmem_shared>>
        tpu.enqueue_indirect_dma source(%arg14 : memref<64x16xf32, #tpu.memory_space<vmem>>) target(%dma_start3A_246 : memref<10000x16xf32, #tpu.memory_space<vmem_shared>>) offsets(%dma_start3A_243 : memref<64xi32, #tpu.memory_space<vmem>>) semaphore(%arg21 : memref<!tpu.dma_semaphore, #tpu.memory_space<semaphore_mem>>) {add = true}
      } else {
      }
      %mul3A_199 = arith.constant 2 : i32
      %mul3A_200 = arith.muli %mul3A_199, %scan3A_160 : i32
      %add3A_201 = arith.constant 1 : i32
      %add3A_202 = arith.addi %mul3A_200, %add3A_201 : i32
      %ge3A_203 = arith.constant 1 : i32
      %ge3A_204 = arith.cmpi sge, %add3A_202, %ge3A_203 : i32
      %convert_element_type3A_205 = arith.extui %ge3A_204 : i1 to i32
      %cond3A_206 = arith.constant 0 : i32
      %cond3A_207 = arith.cmpi ne, %convert_element_type3A_205, %cond3A_206 : i32
      scf.if %cond3A_207 {
        %dma_wait3A_241 = arith.constant 0 : i32
        %dma_wait3A_242 = arith.constant 0 : i32
        %dma_wait3A_243 = tpu.memref_slice %arg11[%dma_wait3A_241, %dma_wait3A_242] : memref<157x64xi32, #tpu.memory_space<vmem>> -> memref<1x64xi32, #tpu.memory_space<vmem>>
        %dma_wait3A_244 = tpu.memref_squeeze %dma_wait3A_243 : memref<1x64xi32, #tpu.memory_space<vmem>> -> memref<64xi32, #tpu.memory_space<vmem>>
        %dma_wait3A_245 = arith.constant 0 : i32
        %dma_wait3A_246 = arith.constant 0 : i32
        %dma_wait3A_247 = tpu.memref_slice %arg15[%dma_wait3A_245, %dma_wait3A_246] : memref<10000x128xf32, #tpu.memory_space<vmem_shared>> -> memref<10000x128xf32, #tpu.memory_space<vmem_shared>>
        tpu.wait_indirect_dma semaphore(%arg19 : memref<!tpu.dma_semaphore, #tpu.memory_space<semaphore_mem>>) src(%arg12 : memref<64x128xf32, #tpu.memory_space<vmem>>) dst(%dma_wait3A_247 : memref<10000x128xf32, #tpu.memory_space<vmem_shared>>)
      } else {
      }
      %add3A_208 = arith.constant 1 : i32
      %add3A_209 = arith.addi %add3A_202, %add3A_208 : i32
      %lt3A_210 = arith.constant 156 : i32
      %lt3A_211 = arith.cmpi slt, %add3A_209, %lt3A_210 : i32
      %convert_element_type3A_212 = arith.extui %lt3A_211 : i1 to i32
      %cond3A_213 = arith.constant 0 : i32
      %cond3A_214 = arith.cmpi ne, %convert_element_type3A_212, %cond3A_213 : i32
      scf.if %cond3A_214 {
        %add3A_241 = arith.constant 1 : i32
        %add3A_242 = arith.addi %add3A_202, %add3A_241 : i32
        %dma_start3A_243 = arith.constant 0 : i32
        %dma_start3A_244 = tpu.memref_slice %arg10[%add3A_242, %dma_start3A_243] : memref<157x64xi32, #tpu.memory_space<vmem>> -> memref<1x64xi32, #tpu.memory_space<vmem>>
        %dma_start3A_245 = tpu.memref_squeeze %dma_start3A_244 : memref<1x64xi32, #tpu.memory_space<vmem>> -> memref<64xi32, #tpu.memory_space<vmem>>
        %dma_start3A_246 = arith.constant 0 : i32
        %dma_start3A_247 = arith.constant 0 : i32
        %dma_start3A_248 = tpu.memref_slice %arg2[%dma_start3A_246, %dma_start3A_247] : memref<20000x128xf32, #tpu.memory_space<hbm>> -> memref<20000x128xf32, #tpu.memory_space<hbm>>
        tpu.enqueue_indirect_dma source(%dma_start3A_248 : memref<20000x128xf32, #tpu.memory_space<hbm>>) target(%arg12 : memref<64x128xf32, #tpu.memory_space<vmem>>) offsets(%dma_start3A_245 : memref<64xi32, #tpu.memory_space<vmem>>) semaphore(%arg17 : memref<!tpu.dma_semaphore, #tpu.memory_space<semaphore_mem>>)
      } else {
      }
      %dma_wait3A_215 = arith.constant 0 : i32
      %dma_wait3A_216 = arith.constant 0 : i32
      %dma_wait3A_217 = tpu.memref_slice %arg10[%dma_wait3A_215, %dma_wait3A_216] : memref<157x64xi32, #tpu.memory_space<vmem>> -> memref<1x64xi32, #tpu.memory_space<vmem>>
      %dma_wait3A_218 = tpu.memref_squeeze %dma_wait3A_217 : memref<1x64xi32, #tpu.memory_space<vmem>> -> memref<64xi32, #tpu.memory_space<vmem>>
      %dma_wait3A_219 = arith.constant 0 : i32
      %dma_wait3A_220 = arith.constant 0 : i32
      %dma_wait3A_221 = tpu.memref_slice %arg2[%dma_wait3A_219, %dma_wait3A_220] : memref<20000x128xf32, #tpu.memory_space<hbm>> -> memref<20000x128xf32, #tpu.memory_space<hbm>>
      tpu.wait_indirect_dma semaphore(%arg18 : memref<!tpu.dma_semaphore, #tpu.memory_space<semaphore_mem>>) src(%dma_wait3A_221 : memref<20000x128xf32, #tpu.memory_space<hbm>>) dst(%arg13 : memref<64x128xf32, #tpu.memory_space<vmem>>)
      %dma_start3A_222 = arith.constant 0 : i32
      %dma_start3A_223 = tpu.memref_slice %arg11[%add3A_202, %dma_start3A_222] : memref<157x64xi32, #tpu.memory_space<vmem>> -> memref<1x64xi32, #tpu.memory_space<vmem>>
      %dma_start3A_224 = tpu.memref_squeeze %dma_start3A_223 : memref<1x64xi32, #tpu.memory_space<vmem>> -> memref<64xi32, #tpu.memory_space<vmem>>
      %dma_start3A_225 = arith.constant 0 : i32
      %dma_start3A_226 = arith.constant 0 : i32
      %dma_start3A_227 = tpu.memref_slice %arg15[%dma_start3A_225, %dma_start3A_226] : memref<10000x128xf32, #tpu.memory_space<vmem_shared>> -> memref<10000x128xf32, #tpu.memory_space<vmem_shared>>
      tpu.enqueue_indirect_dma source(%arg13 : memref<64x128xf32, #tpu.memory_space<vmem>>) target(%dma_start3A_227 : memref<10000x128xf32, #tpu.memory_space<vmem_shared>>) offsets(%dma_start3A_224 : memref<64xi32, #tpu.memory_space<vmem>>) semaphore(%arg20 : memref<!tpu.dma_semaphore, #tpu.memory_space<semaphore_mem>>) {add = true}
      %eq3A_228 = arith.constant 0 : i32
      %eq3A_229 = arith.cmpi eq, %arg0, %eq3A_228 : i32
      %ge3A_230 = arith.constant 1 : i32
      %ge3A_231 = arith.cmpi sge, %add3A_202, %ge3A_230 : i32
      %and3A_232 = arith.andi %eq3A_229, %ge3A_231 : i1
      %convert_element_type3A_233 = arith.extui %and3A_232 : i1 to i32
      %cond3A_234 = arith.constant 0 : i32
      %cond3A_235 = arith.cmpi ne, %convert_element_type3A_233, %cond3A_234 : i32
      scf.if %cond3A_235 {
        %dma_wait3A_241 = arith.constant 0 : i32
        %dma_wait3A_242 = arith.constant 0 : i32
        %dma_wait3A_243 = tpu.memref_slice %arg11[%dma_wait3A_241, %dma_wait3A_242] : memref<157x64xi32, #tpu.memory_space<vmem>> -> memref<1x64xi32, #tpu.memory_space<vmem>>
        %dma_wait3A_244 = tpu.memref_squeeze %dma_wait3A_243 : memref<1x64xi32, #tpu.memory_space<vmem>> -> memref<64xi32, #tpu.memory_space<vmem>>
        %dma_wait3A_245 = arith.constant 0 : i32
        %dma_wait3A_246 = arith.constant 0 : i32
        %dma_wait3A_247 = tpu.memref_slice %arg16[%dma_wait3A_245, %dma_wait3A_246] : memref<10000x16xf32, #tpu.memory_space<vmem_shared>> -> memref<10000x16xf32, #tpu.memory_space<vmem_shared>>
        tpu.wait_indirect_dma semaphore(%arg21 : memref<!tpu.dma_semaphore, #tpu.memory_space<semaphore_mem>>) src(%arg14 : memref<64x16xf32, #tpu.memory_space<vmem>>) dst(%dma_wait3A_247 : memref<10000x16xf32, #tpu.memory_space<vmem_shared>>)
      } else {
      }
      %eq3A_236 = arith.constant 0 : i32
      %eq3A_237 = arith.cmpi eq, %arg0, %eq3A_236 : i32
      %convert_element_type3A_238 = arith.extui %eq3A_237 : i1 to i32
      %cond3A_239 = arith.constant 0 : i32
      %cond3A_240 = arith.cmpi ne, %convert_element_type3A_238, %cond3A_239 : i32
      scf.if %cond3A_240 {
        %dma_start3A_241 = arith.constant 0 : i32
        %dma_start3A_242 = tpu.memref_slice %arg11[%add3A_202, %dma_start3A_241] : memref<157x64xi32, #tpu.memory_space<vmem>> -> memref<1x64xi32, #tpu.memory_space<vmem>>
        %dma_start3A_243 = tpu.memref_squeeze %dma_start3A_242 : memref<1x64xi32, #tpu.memory_space<vmem>> -> memref<64xi32, #tpu.memory_space<vmem>>
        %dma_start3A_244 = arith.constant 0 : i32
        %dma_start3A_245 = arith.constant 0 : i32
        %dma_start3A_246 = tpu.memref_slice %arg16[%dma_start3A_244, %dma_start3A_245] : memref<10000x16xf32, #tpu.memory_space<vmem_shared>> -> memref<10000x16xf32, #tpu.memory_space<vmem_shared>>
        tpu.enqueue_indirect_dma source(%arg14 : memref<64x16xf32, #tpu.memory_space<vmem>>) target(%dma_start3A_246 : memref<10000x16xf32, #tpu.memory_space<vmem_shared>>) offsets(%dma_start3A_243 : memref<64xi32, #tpu.memory_space<vmem>>) semaphore(%arg21 : memref<!tpu.dma_semaphore, #tpu.memory_space<semaphore_mem>>) {add = true}
      } else {
      }
    }
    %scan3A_115 = arith.constant 78 : i32
    %dma_wait3A_116 = arith.constant 0 : i32
    %dma_wait3A_117 = arith.constant 0 : i32
    %dma_wait3A_118 = tpu.memref_slice %arg11[%dma_wait3A_116, %dma_wait3A_117] : memref<157x64xi32, #tpu.memory_space<vmem>> -> memref<1x64xi32, #tpu.memory_space<vmem>>
    %dma_wait3A_119 = tpu.memref_squeeze %dma_wait3A_118 : memref<1x64xi32, #tpu.memory_space<vmem>> -> memref<64xi32, #tpu.memory_space<vmem>>
    %dma_wait3A_120 = arith.constant 0 : i32
    %dma_wait3A_121 = arith.constant 0 : i32
    %dma_wait3A_122 = tpu.memref_slice %arg15[%dma_wait3A_120, %dma_wait3A_121] : memref<10000x128xf32, #tpu.memory_space<vmem_shared>> -> memref<10000x128xf32, #tpu.memory_space<vmem_shared>>
    tpu.wait_indirect_dma semaphore(%arg20 : memref<!tpu.dma_semaphore, #tpu.memory_space<semaphore_mem>>) src(%arg13 : memref<64x128xf32, #tpu.memory_space<vmem>>) dst(%dma_wait3A_122 : memref<10000x128xf32, #tpu.memory_space<vmem_shared>>)
    %eq3A_123 = arith.constant 0 : i32
    %eq3A_124 = arith.cmpi eq, %arg0, %eq3A_123 : i32
    %convert_element_type3A_125 = arith.extui %eq3A_124 : i1 to i32
    %cond3A_126 = arith.constant 0 : i32
    %cond3A_127 = arith.cmpi ne, %convert_element_type3A_125, %cond3A_126 : i32
    scf.if %cond3A_127 {
      %dma_wait3A_160 = arith.constant 0 : i32
      %dma_wait3A_161 = arith.constant 0 : i32
      %dma_wait3A_162 = tpu.memref_slice %arg11[%dma_wait3A_160, %dma_wait3A_161] : memref<157x64xi32, #tpu.memory_space<vmem>> -> memref<1x64xi32, #tpu.memory_space<vmem>>
      %dma_wait3A_163 = tpu.memref_squeeze %dma_wait3A_162 : memref<1x64xi32, #tpu.memory_space<vmem>> -> memref<64xi32, #tpu.memory_space<vmem>>
      %dma_wait3A_164 = arith.constant 0 : i32
      %dma_wait3A_165 = arith.constant 0 : i32
      %dma_wait3A_166 = tpu.memref_slice %arg16[%dma_wait3A_164, %dma_wait3A_165] : memref<10000x16xf32, #tpu.memory_space<vmem_shared>> -> memref<10000x16xf32, #tpu.memory_space<vmem_shared>>
      tpu.wait_indirect_dma semaphore(%arg21 : memref<!tpu.dma_semaphore, #tpu.memory_space<semaphore_mem>>) src(%arg14 : memref<64x16xf32, #tpu.memory_space<vmem>>) dst(%dma_wait3A_166 : memref<10000x16xf32, #tpu.memory_space<vmem_shared>>)
    } else {
    }
    %lt3A_128 = arith.constant 4 : i32
    %lt3A_129 = arith.cmpi slt, %arg1, %lt3A_128 : i32
    %convert_element_type3A_130 = arith.extui %lt3A_129 : i1 to i32
    %cond3A_131 = arith.constant 0 : i32
    %cond3A_132 = arith.cmpi ne, %convert_element_type3A_130, %cond3A_131 : i32
    scf.if %cond3A_132 {
      %dma_start3A_160 = arith.constant 156 : i32
      %dma_start3A_161 = arith.constant 0 : i32
      %dma_start3A_162 = tpu.memref_slice %arg10[%dma_start3A_160, %dma_start3A_161] : memref<157x64xi32, #tpu.memory_space<vmem>> -> memref<1x64xi32, #tpu.memory_space<vmem>>
      %dma_start3A_163 = tpu.memref_squeeze %dma_start3A_162 : memref<1x64xi32, #tpu.memory_space<vmem>> -> memref<64xi32, #tpu.memory_space<vmem>>
      %dma_start3A_164 = arith.constant 0 : i32
      %dma_start3A_165 = arith.constant 0 : i32
      %dma_start3A_166 = tpu.memref_slice %arg2[%dma_start3A_164, %dma_start3A_165] : memref<20000x128xf32, #tpu.memory_space<hbm>> -> memref<20000x128xf32, #tpu.memory_space<hbm>>
      tpu.enqueue_indirect_dma source(%dma_start3A_166 : memref<20000x128xf32, #tpu.memory_space<hbm>>) target(%arg12 : memref<64x128xf32, #tpu.memory_space<vmem>>) offsets(%dma_start3A_163 : memref<64xi32, #tpu.memory_space<vmem>>) semaphore(%arg17 : memref<!tpu.dma_semaphore, #tpu.memory_space<semaphore_mem>>)
      %dma_wait3A_167 = arith.constant 156 : i32
      %dma_wait3A_168 = arith.constant 0 : i32
      %dma_wait3A_169 = tpu.memref_slice %arg10[%dma_wait3A_167, %dma_wait3A_168] : memref<157x64xi32, #tpu.memory_space<vmem>> -> memref<1x64xi32, #tpu.memory_space<vmem>>
      %dma_wait3A_170 = tpu.memref_squeeze %dma_wait3A_169 : memref<1x64xi32, #tpu.memory_space<vmem>> -> memref<64xi32, #tpu.memory_space<vmem>>
      %dma_wait3A_171 = arith.constant 0 : i32
      %dma_wait3A_172 = arith.constant 0 : i32
      %dma_wait3A_173 = tpu.memref_slice %arg2[%dma_wait3A_171, %dma_wait3A_172] : memref<20000x128xf32, #tpu.memory_space<hbm>> -> memref<20000x128xf32, #tpu.memory_space<hbm>>
      tpu.wait_indirect_dma semaphore(%arg17 : memref<!tpu.dma_semaphore, #tpu.memory_space<semaphore_mem>>) src(%dma_wait3A_173 : memref<20000x128xf32, #tpu.memory_space<hbm>>) dst(%arg12 : memref<64x128xf32, #tpu.memory_space<vmem>>)
      %dma_start3A_174 = arith.constant 156 : i32
      %dma_start3A_175 = arith.constant 0 : i32
      %dma_start3A_176 = tpu.memref_slice %arg11[%dma_start3A_174, %dma_start3A_175] : memref<157x64xi32, #tpu.memory_space<vmem>> -> memref<1x64xi32, #tpu.memory_space<vmem>>
      %dma_start3A_177 = tpu.memref_squeeze %dma_start3A_176 : memref<1x64xi32, #tpu.memory_space<vmem>> -> memref<64xi32, #tpu.memory_space<vmem>>
      %dma_start3A_178 = arith.constant 0 : i32
      %dma_start3A_179 = arith.constant 0 : i32
      %dma_start3A_180 = tpu.memref_slice %arg15[%dma_start3A_178, %dma_start3A_179] : memref<10000x128xf32, #tpu.memory_space<vmem_shared>> -> memref<10000x128xf32, #tpu.memory_space<vmem_shared>>
      tpu.enqueue_indirect_dma source(%arg12 : memref<64x128xf32, #tpu.memory_space<vmem>>) target(%dma_start3A_180 : memref<10000x128xf32, #tpu.memory_space<vmem_shared>>) offsets(%dma_start3A_177 : memref<64xi32, #tpu.memory_space<vmem>>) semaphore(%arg19 : memref<!tpu.dma_semaphore, #tpu.memory_space<semaphore_mem>>) {add = true}
      %dma_wait3A_181 = arith.constant 156 : i32
      %dma_wait3A_182 = arith.constant 0 : i32
      %dma_wait3A_183 = tpu.memref_slice %arg11[%dma_wait3A_181, %dma_wait3A_182] : memref<157x64xi32, #tpu.memory_space<vmem>> -> memref<1x64xi32, #tpu.memory_space<vmem>>
      %dma_wait3A_184 = tpu.memref_squeeze %dma_wait3A_183 : memref<1x64xi32, #tpu.memory_space<vmem>> -> memref<64xi32, #tpu.memory_space<vmem>>
      %dma_wait3A_185 = arith.constant 0 : i32
      %dma_wait3A_186 = arith.constant 0 : i32
      %dma_wait3A_187 = tpu.memref_slice %arg15[%dma_wait3A_185, %dma_wait3A_186] : memref<10000x128xf32, #tpu.memory_space<vmem_shared>> -> memref<10000x128xf32, #tpu.memory_space<vmem_shared>>
      tpu.wait_indirect_dma semaphore(%arg19 : memref<!tpu.dma_semaphore, #tpu.memory_space<semaphore_mem>>) src(%arg12 : memref<64x128xf32, #tpu.memory_space<vmem>>) dst(%dma_wait3A_187 : memref<10000x128xf32, #tpu.memory_space<vmem_shared>>)
      %eq3A_188 = arith.constant 0 : i32
      %eq3A_189 = arith.cmpi eq, %arg0, %eq3A_188 : i32
      %convert_element_type3A_190 = arith.extui %eq3A_189 : i1 to i32
      %cond3A_191 = arith.constant 0 : i32
      %cond3A_192 = arith.cmpi ne, %convert_element_type3A_190, %cond3A_191 : i32
      scf.if %cond3A_192 {
        %dma_start3A_193 = arith.constant 156 : i32
        %dma_start3A_194 = arith.constant 0 : i32
        %dma_start3A_195 = tpu.memref_slice %arg11[%dma_start3A_193, %dma_start3A_194] : memref<157x64xi32, #tpu.memory_space<vmem>> -> memref<1x64xi32, #tpu.memory_space<vmem>>
        %dma_start3A_196 = tpu.memref_squeeze %dma_start3A_195 : memref<1x64xi32, #tpu.memory_space<vmem>> -> memref<64xi32, #tpu.memory_space<vmem>>
        %dma_start3A_197 = arith.constant 0 : i32
        %dma_start3A_198 = arith.constant 0 : i32
        %dma_start3A_199 = tpu.memref_slice %arg16[%dma_start3A_197, %dma_start3A_198] : memref<10000x16xf32, #tpu.memory_space<vmem_shared>> -> memref<10000x16xf32, #tpu.memory_space<vmem_shared>>
        tpu.enqueue_indirect_dma source(%arg14 : memref<64x16xf32, #tpu.memory_space<vmem>>) target(%dma_start3A_199 : memref<10000x16xf32, #tpu.memory_space<vmem_shared>>) offsets(%dma_start3A_196 : memref<64xi32, #tpu.memory_space<vmem>>) semaphore(%arg21 : memref<!tpu.dma_semaphore, #tpu.memory_space<semaphore_mem>>) {add = true}
        %dma_wait3A_200 = arith.constant 156 : i32
        %dma_wait3A_201 = arith.constant 0 : i32
        %dma_wait3A_202 = tpu.memref_slice %arg11[%dma_wait3A_200, %dma_wait3A_201] : memref<157x64xi32, #tpu.memory_space<vmem>> -> memref<1x64xi32, #tpu.memory_space<vmem>>
        %dma_wait3A_203 = tpu.memref_squeeze %dma_wait3A_202 : memref<1x64xi32, #tpu.memory_space<vmem>> -> memref<64xi32, #tpu.memory_space<vmem>>
        %dma_wait3A_204 = arith.constant 0 : i32
        %dma_wait3A_205 = arith.constant 0 : i32
        %dma_wait3A_206 = tpu.memref_slice %arg16[%dma_wait3A_204, %dma_wait3A_205] : memref<10000x16xf32, #tpu.memory_space<vmem_shared>> -> memref<10000x16xf32, #tpu.memory_space<vmem_shared>>
        tpu.wait_indirect_dma semaphore(%arg21 : memref<!tpu.dma_semaphore, #tpu.memory_space<semaphore_mem>>) src(%arg14 : memref<64x16xf32, #tpu.memory_space<vmem>>) dst(%dma_wait3A_206 : memref<10000x16xf32, #tpu.memory_space<vmem_shared>>)
      } else {
      }
    } else {
    }
    %barrier3A_133 = arith.constant 0 : index
    tpu.barrier barrier_id(%barrier3A_133)
    %lt3A_134 = arith.constant 15 : i32
    %lt3A_135 = arith.cmpi slt, %arg1, %lt3A_134 : i32
    %convert_element_type3A_136 = arith.extui %lt3A_135 : i1 to i32
    %cond3A_137 = arith.constant 0 : i32
    %cond3A_138 = arith.cmpi ne, %convert_element_type3A_136, %cond3A_137 : i32
    scf.if %cond3A_138 {
      %mul3A_160 = arith.constant 632 : i32
      %mul3A_161 = arith.muli %arg1, %mul3A_160 : i32
      %mul3A_162 = arith.constant 10000 : i32
      %mul3A_163 = arith.muli %arg0, %mul3A_162 : i32
      %mul3A_164 = arith.constant 632 : i32
      %mul3A_165 = arith.muli %arg1, %mul3A_164 : i32
      %add3A = arith.addi %mul3A_163, %mul3A_165 : i32
      "tpu.region"() ({
        %run_scoped3A = tpu.sem_alloc : memref<!tpu.dma_semaphore, #tpu.memory_space<semaphore_mem>>
        %dma_start3A_166 = arith.constant 0 : i32
        %dma_start3A_167 = tpu.memref_slice %arg8[%add3A, %dma_start3A_166] : memref<20000x128xf32, #tpu.memory_space<hbm>> -> memref<632x128xf32, #tpu.memory_space<hbm>>
        %dma_start3A_168 = arith.constant 0 : i32
        %dma_start3A_169 = tpu.memref_slice %arg15[%mul3A_161, %dma_start3A_168] : memref<10000x128xf32, #tpu.memory_space<vmem_shared>> -> memref<632x128xf32, #tpu.memory_space<vmem_shared>>
        tpu.enqueue_dma source(%dma_start3A_169 : memref<632x128xf32, #tpu.memory_space<vmem_shared>>) target(%dma_start3A_167 : memref<632x128xf32, #tpu.memory_space<hbm>>) target_semaphore(%run_scoped3A : memref<!tpu.dma_semaphore, #tpu.memory_space<semaphore_mem>>)
        %dma_wait3A_170 = arith.constant 0 : i32
        %dma_wait3A_171 = tpu.memref_slice %arg8[%add3A, %dma_wait3A_170] : memref<20000x128xf32, #tpu.memory_space<hbm>> -> memref<632x128xf32, #tpu.memory_space<hbm>>
        %dma_wait3A_172 = arith.constant 0 : i32
        %dma_wait3A_173 = tpu.memref_slice %arg15[%mul3A_161, %dma_wait3A_172] : memref<10000x128xf32, #tpu.memory_space<vmem_shared>> -> memref<632x128xf32, #tpu.memory_space<vmem_shared>>
        tpu.wait_dma2 semaphore(%run_scoped3A : memref<!tpu.dma_semaphore, #tpu.memory_space<semaphore_mem>>) src(%dma_wait3A_173 : memref<632x128xf32, #tpu.memory_space<vmem_shared>>) dst(%dma_wait3A_171 : memref<632x128xf32, #tpu.memory_space<hbm>>)
        tpu.yield
      }) : () -> ()
    } else {
    }
    %eq3A_139 = arith.constant 15 : i32
    %eq3A_140 = arith.cmpi eq, %arg1, %eq3A_139 : i32
    %convert_element_type3A_141 = arith.extui %eq3A_140 : i1 to i32
    %cond3A_142 = arith.constant 0 : i32
    %cond3A_143 = arith.cmpi ne, %convert_element_type3A_141, %cond3A_142 : i32
    scf.if %cond3A_143 {
      %mul3A_160 = arith.constant 10000 : i32
      %mul3A_161 = arith.muli %arg0, %mul3A_160 : i32
      %add3A = arith.constant 9480 : i32
      %add3A_162 = arith.addi %mul3A_161, %add3A : i32
      "tpu.region"() ({
        %run_scoped3A = tpu.sem_alloc : memref<!tpu.dma_semaphore, #tpu.memory_space<semaphore_mem>>
        %dma_start3A_163 = arith.constant 0 : i32
        %dma_start3A_164 = tpu.memref_slice %arg8[%add3A_162, %dma_start3A_163] : memref<20000x128xf32, #tpu.memory_space<hbm>> -> memref<520x128xf32, #tpu.memory_space<hbm>>
        %dma_start3A_165 = arith.constant 9480 : i32
        %dma_start3A_166 = arith.constant 0 : i32
        %dma_start3A_167 = tpu.memref_slice %arg15[%dma_start3A_165, %dma_start3A_166] : memref<10000x128xf32, #tpu.memory_space<vmem_shared>> -> memref<520x128xf32, #tpu.memory_space<vmem_shared>>
        tpu.enqueue_dma source(%dma_start3A_167 : memref<520x128xf32, #tpu.memory_space<vmem_shared>>) target(%dma_start3A_164 : memref<520x128xf32, #tpu.memory_space<hbm>>) target_semaphore(%run_scoped3A : memref<!tpu.dma_semaphore, #tpu.memory_space<semaphore_mem>>)
        %dma_wait3A_168 = arith.constant 0 : i32
        %dma_wait3A_169 = tpu.memref_slice %arg8[%add3A_162, %dma_wait3A_168] : memref<20000x128xf32, #tpu.memory_space<hbm>> -> memref<520x128xf32, #tpu.memory_space<hbm>>
        %dma_wait3A_170 = arith.constant 9480 : i32
        %dma_wait3A_171 = arith.constant 0 : i32
        %dma_wait3A_172 = tpu.memref_slice %arg15[%dma_wait3A_170, %dma_wait3A_171] : memref<10000x128xf32, #tpu.memory_space<vmem_shared>> -> memref<520x128xf32, #tpu.memory_space<vmem_shared>>
        tpu.wait_dma2 semaphore(%run_scoped3A : memref<!tpu.dma_semaphore, #tpu.memory_space<semaphore_mem>>) src(%dma_wait3A_172 : memref<520x128xf32, #tpu.memory_space<vmem_shared>>) dst(%dma_wait3A_169 : memref<520x128xf32, #tpu.memory_space<hbm>>)
        tpu.yield
      }) : () -> ()
    } else {
    }
    %eq3A_144 = arith.constant 0 : i32
    %eq3A_145 = arith.cmpi eq, %arg0, %eq3A_144 : i32
    %lt3A_146 = arith.constant 15 : i32
    %lt3A_147 = arith.cmpi slt, %arg1, %lt3A_146 : i32
    %and3A_148 = arith.andi %eq3A_145, %lt3A_147 : i1
    %convert_element_type3A_149 = arith.extui %and3A_148 : i1 to i32
    %cond3A_150 = arith.constant 0 : i32
    %cond3A_151 = arith.cmpi ne, %convert_element_type3A_149, %cond3A_150 : i32
    scf.if %cond3A_151 {
      %mul3A_160 = arith.constant 632 : i32
      %mul3A_161 = arith.muli %arg1, %mul3A_160 : i32
      %mul3A_162 = arith.constant 632 : i32
      %mul3A_163 = arith.muli %arg1, %mul3A_162 : i32
      "tpu.region"() ({
        %run_scoped3A = tpu.sem_alloc : memref<!tpu.dma_semaphore, #tpu.memory_space<semaphore_mem>>
        %dma_start3A_164 = arith.constant 0 : i32
        %dma_start3A_165 = tpu.memref_slice %arg9[%mul3A_163, %dma_start3A_164] : memref<10000x16xf32, #tpu.memory_space<hbm>> -> memref<632x16xf32, #tpu.memory_space<hbm>>
        %dma_start3A_166 = arith.constant 0 : i32
        %dma_start3A_167 = tpu.memref_slice %arg16[%mul3A_161, %dma_start3A_166] : memref<10000x16xf32, #tpu.memory_space<vmem_shared>> -> memref<632x16xf32, #tpu.memory_space<vmem_shared>>
        tpu.enqueue_dma source(%dma_start3A_167 : memref<632x16xf32, #tpu.memory_space<vmem_shared>>) target(%dma_start3A_165 : memref<632x16xf32, #tpu.memory_space<hbm>>) target_semaphore(%run_scoped3A : memref<!tpu.dma_semaphore, #tpu.memory_space<semaphore_mem>>)
        %dma_wait3A_168 = arith.constant 0 : i32
        %dma_wait3A_169 = tpu.memref_slice %arg9[%mul3A_163, %dma_wait3A_168] : memref<10000x16xf32, #tpu.memory_space<hbm>> -> memref<632x16xf32, #tpu.memory_space<hbm>>
        %dma_wait3A_170 = arith.constant 0 : i32
        %dma_wait3A_171 = tpu.memref_slice %arg16[%mul3A_161, %dma_wait3A_170] : memref<10000x16xf32, #tpu.memory_space<vmem_shared>> -> memref<632x16xf32, #tpu.memory_space<vmem_shared>>
        tpu.wait_dma2 semaphore(%run_scoped3A : memref<!tpu.dma_semaphore, #tpu.memory_space<semaphore_mem>>) src(%dma_wait3A_171 : memref<632x16xf32, #tpu.memory_space<vmem_shared>>) dst(%dma_wait3A_169 : memref<632x16xf32, #tpu.memory_space<hbm>>)
        tpu.yield
      }) : () -> ()
    } else {
    }
    %eq3A_152 = arith.constant 0 : i32
    %eq3A_153 = arith.cmpi eq, %arg0, %eq3A_152 : i32
    %eq3A_154 = arith.constant 15 : i32
    %eq3A_155 = arith.cmpi eq, %arg1, %eq3A_154 : i32
    %and3A_156 = arith.andi %eq3A_153, %eq3A_155 : i1
    %convert_element_type3A_157 = arith.extui %and3A_156 : i1 to i32
    %cond3A_158 = arith.constant 0 : i32
    %cond3A_159 = arith.cmpi ne, %convert_element_type3A_157, %cond3A_158 : i32
    scf.if %cond3A_159 {
      "tpu.region"() ({
        %run_scoped3A = tpu.sem_alloc : memref<!tpu.dma_semaphore, #tpu.memory_space<semaphore_mem>>
        %dma_start3A_160 = arith.constant 9480 : i32
        %dma_start3A_161 = arith.constant 0 : i32
        %dma_start3A_162 = tpu.memref_slice %arg9[%dma_start3A_160, %dma_start3A_161] : memref<10000x16xf32, #tpu.memory_space<hbm>> -> memref<520x16xf32, #tpu.memory_space<hbm>>
        %dma_start3A_163 = arith.constant 9480 : i32
        %dma_start3A_164 = arith.constant 0 : i32
        %dma_start3A_165 = tpu.memref_slice %arg16[%dma_start3A_163, %dma_start3A_164] : memref<10000x16xf32, #tpu.memory_space<vmem_shared>> -> memref<520x16xf32, #tpu.memory_space<vmem_shared>>
        tpu.enqueue_dma source(%dma_start3A_165 : memref<520x16xf32, #tpu.memory_space<vmem_shared>>) target(%dma_start3A_162 : memref<520x16xf32, #tpu.memory_space<hbm>>) target_semaphore(%run_scoped3A : memref<!tpu.dma_semaphore, #tpu.memory_space<semaphore_mem>>)
        %dma_wait3A_166 = arith.constant 9480 : i32
        %dma_wait3A_167 = arith.constant 0 : i32
        %dma_wait3A_168 = tpu.memref_slice %arg9[%dma_wait3A_166, %dma_wait3A_167] : memref<10000x16xf32, #tpu.memory_space<hbm>> -> memref<520x16xf32, #tpu.memory_space<hbm>>
        %dma_wait3A_169 = arith.constant 9480 : i32
        %dma_wait3A_170 = arith.constant 0 : i32
        %dma_wait3A_171 = tpu.memref_slice %arg16[%dma_wait3A_169, %dma_wait3A_170] : memref<10000x16xf32, #tpu.memory_space<vmem_shared>> -> memref<520x16xf32, #tpu.memory_space<vmem_shared>>
        tpu.wait_dma2 semaphore(%run_scoped3A : memref<!tpu.dma_semaphore, #tpu.memory_space<semaphore_mem>>) src(%dma_wait3A_171 : memref<520x16xf32, #tpu.memory_space<vmem_shared>>) dst(%dma_wait3A_168 : memref<520x16xf32, #tpu.memory_space<hbm>>)
        tpu.yield
      }) : () -> ()
    } else {
    }
    return
  }
}

module attributes {stable_mosaic.version = 14 : i64} {
  func.func @body(%arg0: i32, %arg1: memref<2000x256xf32, #tpu.memory_space<vmem>>, %arg2: memref<2000x128xf32, #tpu.memory_space<vmem>>, %arg3: memref<2000x128xf32, #tpu.memory_space<vmem>>, %arg4: memref<2000x16xf32, #tpu.memory_space<vmem>>, %arg5: memref<256x256xf32, #tpu.memory_space<vmem>>, %arg6: memref<128x256xf32, #tpu.memory_space<vmem>>, %arg7: memref<128x256xf32, #tpu.memory_space<vmem>>, %arg8: memref<1x256xf32, #tpu.memory_space<vmem>>, %arg9: memref<2000x256xf32, #tpu.memory_space<vmem>>) attributes {dimension_semantics = [#tpu.dimension_semantics<arbitrary>], iteration_bounds = array<i64: 5>, scalar_prefetch = 0 : i64, scratch_operands = 0 : i64, tpu.core_type = #tpu.core_type<tc>, window_params = [{transform_indices = @transform_0, window_bounds = array<i64: 2000, 256>}, {transform_indices = @transform_1, window_bounds = array<i64: 2000, 128>}, {transform_indices = @transform_2, window_bounds = array<i64: 2000, 128>}, {transform_indices = @transform_3, window_bounds = array<i64: 2000, 16>}, {pipeline_mode = #tpu.pipeline_mode<synchronous>, transform_indices = @transform_4, window_bounds = array<i64: 256, 256>}, {pipeline_mode = #tpu.pipeline_mode<synchronous>, transform_indices = @transform_5, window_bounds = array<i64: 128, 256>}, {pipeline_mode = #tpu.pipeline_mode<synchronous>, transform_indices = @transform_6, window_bounds = array<i64: 128, 256>}, {pipeline_mode = #tpu.pipeline_mode<synchronous>, transform_indices = @transform_7, window_bounds = array<i64: 1, 256>}, {transform_indices = @transform_8, window_bounds = array<i64: 2000, 256>}]} {
    %get3A = arith.constant 0 : index
    %get3A_0 = arith.constant 0 : index
    %get3A_1 = vector.load %arg4[%get3A, %get3A_0] : memref<2000x16xf32, #tpu.memory_space<vmem>>, vector<2000x1xf32>
    %max3A = arith.constant 1.000000e+00 : f32
    %max3A_2 = vector.broadcast %max3A : f32 to vector<2000x1xf32>
    %max3A_3 = arith.maximumf %get3A_1, %max3A_2 : vector<2000x1xf32>
    %div3A = arith.constant 1.000000e+00 : f32
    %div3A_4 = vector.broadcast %div3A : f32 to vector<2000x1xf32>
    %div3A_5 = arith.divf %div3A_4, %max3A_3 : vector<2000x1xf32>
    %get3A_6 = arith.constant 0 : index
    %get3A_7 = arith.constant 0 : index
    %get3A_8 = vector.load %arg1[%get3A_6, %get3A_7] : memref<2000x256xf32, #tpu.memory_space<vmem>>, vector<2000x256xf32>
    %get3A_9 = arith.constant 0 : index
    %get3A_10 = arith.constant 0 : index
    %get3A_11 = vector.load %arg5[%get3A_9, %get3A_10] : memref<256x256xf32, #tpu.memory_space<vmem>>, vector<256x256xf32>
    %convert_element_type3A = arith.truncf %get3A_8 : vector<2000x256xf32> to vector<2000x256xbf16>
    %convert_element_type3A_12 = arith.extf %convert_element_type3A : vector<2000x256xbf16> to vector<2000x256xf32>
    %sub3A = arith.subf %get3A_8, %convert_element_type3A_12 : vector<2000x256xf32>
    %convert_element_type3A_13 = arith.truncf %sub3A : vector<2000x256xf32> to vector<2000x256xbf16>
    %convert_element_type3A_14 = arith.truncf %get3A_11 : vector<256x256xf32> to vector<256x256xbf16>
    %convert_element_type3A_15 = arith.extf %convert_element_type3A_14 : vector<256x256xbf16> to vector<256x256xf32>
    %sub3A_16 = arith.subf %get3A_11, %convert_element_type3A_15 : vector<256x256xf32>
    %convert_element_type3A_17 = arith.truncf %sub3A_16 : vector<256x256xf32> to vector<256x256xbf16>
    %dot_general3A = arith.constant dense<0.000000e+00> : vector<2000x256xf32>
    %dot_general3A_18 = tpu.matmul %convert_element_type3A, %convert_element_type3A_14, %dot_general3A {dimension_numbers = #tpu.dot_dimension_numbers<[1], [0], [0], [1], [0, 0, 1, 1], [], []>, transpose_lhs_hint = false} : vector<2000x256xbf16>, vector<256x256xbf16>, vector<2000x256xf32> -> vector<2000x256xf32>
    %dot_general3A_19 = arith.constant dense<0.000000e+00> : vector<2000x256xf32>
    %dot_general3A_20 = tpu.matmul %convert_element_type3A_13, %convert_element_type3A_14, %dot_general3A_19 {dimension_numbers = #tpu.dot_dimension_numbers<[1], [0], [0], [1], [0, 0, 1, 1], [], []>, transpose_lhs_hint = false} : vector<2000x256xbf16>, vector<256x256xbf16>, vector<2000x256xf32> -> vector<2000x256xf32>
    %add3A = arith.addf %dot_general3A_18, %dot_general3A_20 : vector<2000x256xf32>
    %dot_general3A_21 = arith.constant dense<0.000000e+00> : vector<2000x256xf32>
    %dot_general3A_22 = tpu.matmul %convert_element_type3A, %convert_element_type3A_17, %dot_general3A_21 {dimension_numbers = #tpu.dot_dimension_numbers<[1], [0], [0], [1], [0, 0, 1, 1], [], []>, transpose_lhs_hint = false} : vector<2000x256xbf16>, vector<256x256xbf16>, vector<2000x256xf32> -> vector<2000x256xf32>
    %add3A_23 = arith.addf %add3A, %dot_general3A_22 : vector<2000x256xf32>
    %get3A_24 = arith.constant 0 : index
    %get3A_25 = arith.constant 0 : index
    %get3A_26 = vector.load %arg2[%get3A_24, %get3A_25] : memref<2000x128xf32, #tpu.memory_space<vmem>>, vector<2000x128xf32>
    %mul3A = vector.broadcast %div3A_5 : vector<2000x1xf32> to vector<2000x128xf32>
    %mul3A_27 = arith.mulf %get3A_26, %mul3A : vector<2000x128xf32>
    %get3A_28 = arith.constant 0 : index
    %get3A_29 = arith.constant 0 : index
    %get3A_30 = vector.load %arg6[%get3A_28, %get3A_29] : memref<128x256xf32, #tpu.memory_space<vmem>>, vector<128x256xf32>
    %convert_element_type3A_31 = arith.truncf %mul3A_27 : vector<2000x128xf32> to vector<2000x128xbf16>
    %convert_element_type3A_32 = arith.extf %convert_element_type3A_31 : vector<2000x128xbf16> to vector<2000x128xf32>
    %sub3A_33 = arith.subf %mul3A_27, %convert_element_type3A_32 : vector<2000x128xf32>
    %convert_element_type3A_34 = arith.truncf %sub3A_33 : vector<2000x128xf32> to vector<2000x128xbf16>
    %convert_element_type3A_35 = arith.truncf %get3A_30 : vector<128x256xf32> to vector<128x256xbf16>
    %convert_element_type3A_36 = arith.extf %convert_element_type3A_35 : vector<128x256xbf16> to vector<128x256xf32>
    %sub3A_37 = arith.subf %get3A_30, %convert_element_type3A_36 : vector<128x256xf32>
    %convert_element_type3A_38 = arith.truncf %sub3A_37 : vector<128x256xf32> to vector<128x256xbf16>
    %dot_general3A_39 = arith.constant dense<0.000000e+00> : vector<2000x256xf32>
    %dot_general3A_40 = tpu.matmul %convert_element_type3A_31, %convert_element_type3A_35, %dot_general3A_39 {dimension_numbers = #tpu.dot_dimension_numbers<[1], [0], [0], [1], [0, 0, 1, 1], [], []>, transpose_lhs_hint = false} : vector<2000x128xbf16>, vector<128x256xbf16>, vector<2000x256xf32> -> vector<2000x256xf32>
    %dot_general3A_41 = arith.constant dense<0.000000e+00> : vector<2000x256xf32>
    %dot_general3A_42 = tpu.matmul %convert_element_type3A_34, %convert_element_type3A_35, %dot_general3A_41 {dimension_numbers = #tpu.dot_dimension_numbers<[1], [0], [0], [1], [0, 0, 1, 1], [], []>, transpose_lhs_hint = false} : vector<2000x128xbf16>, vector<128x256xbf16>, vector<2000x256xf32> -> vector<2000x256xf32>
    %add3A_43 = arith.addf %dot_general3A_40, %dot_general3A_42 : vector<2000x256xf32>
    %dot_general3A_44 = arith.constant dense<0.000000e+00> : vector<2000x256xf32>
    %dot_general3A_45 = tpu.matmul %convert_element_type3A_31, %convert_element_type3A_38, %dot_general3A_44 {dimension_numbers = #tpu.dot_dimension_numbers<[1], [0], [0], [1], [0, 0, 1, 1], [], []>, transpose_lhs_hint = false} : vector<2000x128xbf16>, vector<128x256xbf16>, vector<2000x256xf32> -> vector<2000x256xf32>
    %add3A_46 = arith.addf %add3A_43, %dot_general3A_45 : vector<2000x256xf32>
    %add3A_47 = arith.addf %add3A_23, %add3A_46 : vector<2000x256xf32>
    %get3A_48 = arith.constant 0 : index
    %get3A_49 = arith.constant 0 : index
    %get3A_50 = vector.load %arg3[%get3A_48, %get3A_49] : memref<2000x128xf32, #tpu.memory_space<vmem>>, vector<2000x128xf32>
    %mul3A_51 = vector.broadcast %div3A_5 : vector<2000x1xf32> to vector<2000x128xf32>
    %mul3A_52 = arith.mulf %get3A_50, %mul3A_51 : vector<2000x128xf32>
    %get3A_53 = arith.constant 0 : index
    %get3A_54 = arith.constant 0 : index
    %get3A_55 = vector.load %arg7[%get3A_53, %get3A_54] : memref<128x256xf32, #tpu.memory_space<vmem>>, vector<128x256xf32>
    %convert_element_type3A_56 = arith.truncf %mul3A_52 : vector<2000x128xf32> to vector<2000x128xbf16>
    %convert_element_type3A_57 = arith.extf %convert_element_type3A_56 : vector<2000x128xbf16> to vector<2000x128xf32>
    %sub3A_58 = arith.subf %mul3A_52, %convert_element_type3A_57 : vector<2000x128xf32>
    %convert_element_type3A_59 = arith.truncf %sub3A_58 : vector<2000x128xf32> to vector<2000x128xbf16>
    %convert_element_type3A_60 = arith.truncf %get3A_55 : vector<128x256xf32> to vector<128x256xbf16>
    %convert_element_type3A_61 = arith.extf %convert_element_type3A_60 : vector<128x256xbf16> to vector<128x256xf32>
    %sub3A_62 = arith.subf %get3A_55, %convert_element_type3A_61 : vector<128x256xf32>
    %convert_element_type3A_63 = arith.truncf %sub3A_62 : vector<128x256xf32> to vector<128x256xbf16>
    %dot_general3A_64 = arith.constant dense<0.000000e+00> : vector<2000x256xf32>
    %dot_general3A_65 = tpu.matmul %convert_element_type3A_56, %convert_element_type3A_60, %dot_general3A_64 {dimension_numbers = #tpu.dot_dimension_numbers<[1], [0], [0], [1], [0, 0, 1, 1], [], []>, transpose_lhs_hint = false} : vector<2000x128xbf16>, vector<128x256xbf16>, vector<2000x256xf32> -> vector<2000x256xf32>
    %dot_general3A_66 = arith.constant dense<0.000000e+00> : vector<2000x256xf32>
    %dot_general3A_67 = tpu.matmul %convert_element_type3A_59, %convert_element_type3A_60, %dot_general3A_66 {dimension_numbers = #tpu.dot_dimension_numbers<[1], [0], [0], [1], [0, 0, 1, 1], [], []>, transpose_lhs_hint = false} : vector<2000x128xbf16>, vector<128x256xbf16>, vector<2000x256xf32> -> vector<2000x256xf32>
    %add3A_68 = arith.addf %dot_general3A_65, %dot_general3A_67 : vector<2000x256xf32>
    %dot_general3A_69 = arith.constant dense<0.000000e+00> : vector<2000x256xf32>
    %dot_general3A_70 = tpu.matmul %convert_element_type3A_56, %convert_element_type3A_63, %dot_general3A_69 {dimension_numbers = #tpu.dot_dimension_numbers<[1], [0], [0], [1], [0, 0, 1, 1], [], []>, transpose_lhs_hint = false} : vector<2000x128xbf16>, vector<128x256xbf16>, vector<2000x256xf32> -> vector<2000x256xf32>
    %add3A_71 = arith.addf %add3A_68, %dot_general3A_70 : vector<2000x256xf32>
    %add3A_72 = arith.addf %add3A_47, %add3A_71 : vector<2000x256xf32>
    %get3A_73 = arith.constant 0 : index
    %get3A_74 = arith.constant 0 : index
    %get3A_75 = vector.load %arg8[%get3A_73, %get3A_74] : memref<1x256xf32, #tpu.memory_space<vmem>>, vector<1x256xf32>
    %add3A_76 = vector.broadcast %get3A_75 : vector<1x256xf32> to vector<2000x256xf32>
    %add3A_77 = arith.addf %add3A_72, %add3A_76 : vector<2000x256xf32>
    %swap3A = arith.constant 0 : index
    %swap3A_78 = arith.constant 0 : index
    %swap3A_79 = vector.load %arg9[%swap3A, %swap3A_78] : memref<2000x256xf32, #tpu.memory_space<vmem>>, vector<2000x256xf32>
    tpu.vector_store %arg9[%swap3A, %swap3A_78], %add3A_77 {strides = array<i32>} : memref<2000x256xf32, #tpu.memory_space<vmem>>, vector<2000x256xf32>,
    return
  }
  func.func @transform_0(%arg0: i32) -> (i32, i32) {
    %c0_i32 = arith.constant 0 : i32
    %c0_i32_0 = arith.constant 0 : i32
    return %arg0, %c0_i32 : i32, i32
  }
  func.func @transform_1(%arg0: i32) -> (i32, i32) {
    %c0_i32 = arith.constant 0 : i32
    %c0_i32_0 = arith.constant 0 : i32
    return %arg0, %c0_i32 : i32, i32
  }
  func.func @transform_2(%arg0: i32) -> (i32, i32) {
    %add3A = arith.constant 5 : i32
    %add3A_0 = arith.addi %add3A, %arg0 : i32
    %c0_i32 = arith.constant 0 : i32
    %c0_i32_1 = arith.constant 0 : i32
    return %add3A_0, %c0_i32 : i32, i32
  }
  func.func @transform_3(%arg0: i32) -> (i32, i32) {
    %c0_i32 = arith.constant 0 : i32
    %c0_i32_0 = arith.constant 0 : i32
    return %arg0, %c0_i32 : i32, i32
  }
  func.func @transform_4(%arg0: i32) -> (i32, i32) {
    %c0_i32 = arith.constant 0 : i32
    %c0_i32_0 = arith.constant 0 : i32
    %c0_i32_1 = arith.constant 0 : i32
    return %c0_i32, %c0_i32_0 : i32, i32
  }
  func.func @transform_5(%arg0: i32) -> (i32, i32) {
    %c0_i32 = arith.constant 0 : i32
    %c0_i32_0 = arith.constant 0 : i32
    %c0_i32_1 = arith.constant 0 : i32
    return %c0_i32, %c0_i32_0 : i32, i32
  }
  func.func @transform_6(%arg0: i32) -> (i32, i32) {
    %c0_i32 = arith.constant 0 : i32
    %c0_i32_0 = arith.constant 0 : i32
    %c0_i32_1 = arith.constant 0 : i32
    return %c0_i32, %c0_i32_0 : i32, i32
  }
  func.func @transform_7(%arg0: i32) -> (i32, i32) {
    %c0_i32 = arith.constant 0 : i32
    %c0_i32_0 = arith.constant 0 : i32
    %c0_i32_1 = arith.constant 0 : i32
    return %c0_i32, %c0_i32_0 : i32, i32
  }
  func.func @transform_8(%arg0: i32) -> (i32, i32) {
    %c0_i32 = arith.constant 0 : i32
    %c0_i32_0 = arith.constant 0 : i32
    return %arg0, %c0_i32 : i32, i32
  }
}

</mosaic_0001>

<sc_bundles>
// kernel: kernel.4.cloned.1.call-start
scs
__scs_entry_jumppad:
0x0: {  	(pc) =	sbr.rel $0x88, $3  }
0x1: {  	(tag) =	ssettag $0x0;
	lr =	simm.s32 $0x1  }
0x2: {  	[smem:$0x3F9C] =	sst lr;
	_ =	strace $0xD0000000  }
0x3: {  	_ = 	snop  }
0x4: {  	_ = 	snop  }
0x5: {  	_ = 	snop  }
0x6: {  	_ = 	snop  }
0x7: {  	_ = 	snop  }
__scs_overlays_trampoline_lowered:
0x8: {  	[smem:$0x3FAB] =	sst s0  }
0x9: {  	[smem:$0x3FAC] =	sst s1  }
0xa: {  	[smem:$0x3FAD] =	sst s2  }
0xb: {  	[smem:$0x3FAE] =	sst s3  }
0xc: {  	[smem:$0x3FAF] =	sst s4  }
0xd: {  	[smem:$0x3FB0] =	sst s5  }
0xe: {  	[smem:$0x3FB1] =	sst s6  }
0xf: {  	[smem:$0x3FB2] =	sst s7  }
0x10: {  	[smem:$0x3FB3] =	sst s8  }
0x11: {  	[smem:$0x3FB4] =	sst s9;
	s0 =	simm.s32 @!p0 $0x0  }
0x12: {  	s1 =	sld [smem:$0x3F9A];
	s0 =	simm.s32 @p0 $0x1  }
0x13: {  	[smem:$0x3FB5] =	sst s0;
	s0 =	simm.s32 @!p1 $0x0  }
0x14: {  	s2 =	sld [smem:$0x3F99];
	s0 =	simm.s32 @p1 $0x1  }
0x15: {  	[smem:$0x3FB6] =	sst s0;
	s0 =	simm.s32 @!p2 $0x0  }
0x16: {  	s3 =	sld [smem:$0x3FDB];
	s0 =	simm.s32 @p2 $0x1  }
0x17: {  	s4 =	simm.s32 $0x1BF5;
	[smem:$0x3FB8] =	sst s0  }
0x18: {  	s0 =	sld [smem:$0x3F9B];
	_ =	swait.ge [sflag:s4], $0x0  }
0x19: {  	s7 =	sld [smem:$0x3F9C]  }
0x1a: {  	s8 =	sadd.s32 $0xFFFFE003, lr  }
0x1b: {  	s9 =	sadd.s32 $0xFFFFFEF7, lr;
	s5 =	simm.s32 $0xFFFFFFFF;
	p2 =	slt.u32 s8, $0xFFFFF086  }
0x1c: {  	p1 =	slt.u32 s9, $0xF7A;
	s5 =	simm.s32 @!p2 $0x0  }
0x1d: {  	s5 =	simm.s32 @p1 $0x1;
	p0 =	seq.s32 s7, s2  }
0x1e: {  	s7 =	smul.u32 @!p0 $0xF7A, s2;
	p2 =	seq.s32 @!p0 s5, $0x0  }
0x1f: {  	s9 =	smul.u32 $0xF7A, s1;
	s8 =	simm.s32 @!p0 $0x1BF5;
	p2 =	por !p2, p0  }
0x20: {  	[sflag:s8] =	ssyncset.s32 @!p0 $0xFFFFF086;
	s6 =	sadd.s32 @!p0 s3, s7;
	s7 =	simm.s32 @!p0 $0x108  }
0x21: {  	s3 =	sadd.s32 s3, s9;
	s6 =	sadd.s32 @!p0 $0x88, s6;
	s7 =	simm.s32 @p2 $0x1082  }
0x22: {  	[simem:s7], [sflag:s8] =	dma.local @!p0 [hbm:s6], $0xF7A  }
0x23: {  	s9 =	sor.u32 $0xD0000000, s2;
	s6 =	simm.s32 $0x108;
	_ =	swait.ge @!p0 [sflag:s8], $0x0  }
0x24: {  	s3 =	sadd.s32 $0x88, s3;
	s6 =	simm.s32 @!p1 $0x1082;
	[sflag:s4] =	ssyncset.s32 $0xFFFFF086  }
0x25: {  	[simem:s6], [sflag:s4] =	dma.local [hbm:s3], $0xF7A  }
0x26: {  	[smem:$0x3F9C] =	sst s1;
	(tag) =	ssettag s2;
	_ =	strace s9  }
0x27: {  	s1 =	sld [smem:$0x3FAC]  }
0x28: {  	s2 =	sld [smem:$0x3FAD]  }
0x29: {  	s4 =	sld [smem:$0x3FAF]  }
0x2a: {  	p0 =	seq.s32 s5, $0x0;
	s5 =	sld [smem:$0x3FB0]  }
0x2b: {  	s6 =	sld [smem:$0x3FB1]  }
0x2c: {  	s7 =	sld [smem:$0x3FB2]  }
0x2d: {  	s3 =	simm.s32 $0x108;
	s8 =	sld [smem:$0x3FB3]  }
0x2e: {  	s3 =	simm.s32 @!p0 $0x1082;
	s9 =	sld [smem:$0x3FB4]  }
0x2f: {  	lr =	sadd.s32 s0, s3;
	s0 =	sld [smem:$0x3FAB]  }
0x30: {  	s3 =	sld [smem:$0x3FAE]  }
0x31: {  	[smem:$0x3FB7] =	sst s10  }
0x32: {  	s10 =	sld [smem:$0x3FB5];
	_ =	sdelay $0x3  }
0x33: {  	p0 =	seq.s32 s10, $0x1;
	s10 =	sld [smem:$0x3FB7];
	_ =	sdelay $0x3  }
0x34: {  	[smem:$0x3FB7] =	sst s10  }
0x35: {  	s10 =	sld [smem:$0x3FB6];
	_ =	sdelay $0x3  }
0x36: {  	p1 =	seq.s32 s10, $0x1;
	s10 =	sld [smem:$0x3FB7];
	_ =	sdelay $0x3  }
0x37: {  	[smem:$0x3FB7] =	sst s10  }
0x38: {  	s10 =	sld [smem:$0x3FB8]  }
0x39: {  	_ = 	snop;
	(pc) =	sbr.ind lr, $3  }
0x3a: {  	_ = 	snop  }
0x3b: {  	_ = 	snop  }
0x3c: {  	p2 =	seq.s32 s10, $0x1;
	s10 =	sld [smem:$0x3FB7]  }
0x3d: {  	_ =	shalt  }
0x3e: {  	_ =	shalt  }
0x3f: {  	_ =	shalt  }
0x40: {  	_ =	shalt  }
0x41: {  	_ =	shalt  }
0x42: {  	_ =	shalt  }
0x43: {  	_ =	shalt  }
0x44: {  	_ =	shalt  }
0x45: {  	_ =	shalt  }
0x46: {  	_ =	shalt  }
0x47: {  	_ =	shalt  }
0x48: {  	_ =	shalt  }
0x49: {  	_ =	shalt  }
0x4a: {  	_ =	shalt  }
0x4b: {  	_ =	shalt  }
0x4c: {  	_ =	shalt  }
0x4d: {  	_ =	shalt  }
0x4e: {  	_ =	shalt  }
0x4f: {  	_ =	shalt  }
0x50: {  	_ =	shalt  }
0x51: {  	_ =	shalt  }
0x52: {  	_ =	shalt  }
0x53: {  	_ =	shalt  }
0x54: {  	_ =	shalt  }
0x55: {  	_ =	shalt  }
0x56: {  	_ =	shalt  }
0x57: {  	_ =	shalt  }
0x58: {  	_ =	shalt  }
0x59: {  	_ =	shalt  }
0x5a: {  	_ =	shalt  }
0x5b: {  	_ =	shalt  }
0x5c: {  	_ =	shalt  }
0x5d: {  	_ =	shalt  }
0x5e: {  	_ =	shalt  }
0x5f: {  	_ =	shalt  }
0x60: {  	_ =	shalt  }
0x61: {  	_ =	shalt  }
0x62: {  	_ =	shalt  }
0x63: {  	_ =	shalt  }
0x64: {  	_ =	shalt  }
0x65: {  	_ =	shalt  }
0x66: {  	_ =	shalt  }
0x67: {  	_ =	shalt  }
0x68: {  	_ =	shalt  }
0x69: {  	_ =	shalt  }
0x6a: {  	_ =	shalt  }
0x6b: {  	_ =	shalt  }
0x6c: {  	_ =	shalt  }
0x6d: {  	_ =	shalt  }
0x6e: {  	_ =	shalt  }
0x6f: {  	_ =	shalt  }
0x70: {  	_ =	shalt  }
0x71: {  	_ =	shalt  }
0x72: {  	_ =	shalt  }
0x73: {  	_ =	shalt  }
0x74: {  	_ =	shalt  }
0x75: {  	_ =	shalt  }
0x76: {  	_ =	shalt  }
0x77: {  	_ =	shalt  }
0x78: {  	_ =	shalt  }
0x79: {  	_ =	shalt  }
0x7a: {  	_ =	shalt  }
0x7b: {  	_ =	shalt  }
0x7c: {  	_ =	shalt  }
0x7d: {  	_ =	shalt  }
0x7e: {  	_ =	shalt  }
0x7f: {  	_ =	shalt  }
0x80: {  	_ =	shalt  }
0x81: {  	_ =	shalt  }
0x82: {  	_ =	shalt  }
0x83: {  	_ =	shalt  }
0x84: {  	_ =	shalt  }
0x85: {  	_ =	shalt  }
0x86: {  	_ =	shalt  }
0x87: {  	_ =	shalt  }
.Lfunc_end0:
.L_simem_size_0:
called_computation_lowered:
.L_overlay_start_0:
0x88: {  	s2 =	sld [smem:$0x3FD9]  }
0x89: {  	s3 =	sld [smem:$0x3FFE];
	_ =	sdelay $0x1  }
0x8a: {  	s1 =	srdreg.scid  }
0x8b: {  	s0 =	sand.u32 $0x1, s1  }
0x8c: {  	s17 =	sshll.u32 s0, $0xA;
	s2 =	sadd.s32 s3, s2  }
0x8d: {  	s2 =	sadd.s32 s2, s17  }
0x8e: {  	[smem:$0x3FC3] =	sst s2  }
0x8f: {  	_ = 	snop  }
0x90: {  	s2 =	sld [smem:$0x3FD0];
	(tm) =	ssettm $0x1  }
0x91: {  	s18 =	sld [smem:$0x3FFB];
	_ =	sdelay $0x3  }
0x92: {  	_ =	strace s18  }
0x93: {  	s3 =	sld [smem:$0x3FFC];
	_ =	sdelay $0x3  }
0x94: {  	_ =	strace s3  }
0x95: {  	s3 =	sld [smem:$0x3FFD];
	_ =	sdelay $0x3  }
0x96: {  	_ =	strace s3  }
0x97: {  	_ =	strace $0x8FFFFFFF  }
0x98: {  	s19 =	sld [smem:$0x3FDB];
	_ =	sdelay $0x1  }
0x99: {  	s4 =	simm.s32 $_scs_section_size  }
0x9a: {  	s5 =	simm.s32 $_size__tile_overlayer_lowered;
	s6 =	simm.s32 $_tile_overlayer_lowered  }
0x9b: {  	s22 =	simm.s32 $0x1BFF;
	s21 =	sshll.u32 s6, $0x1;
	s3 =	sadd.s32 s4, s19  }
0x9c: {  	s7 =	simm.s32 $0x0;
	s20 =	sshll.u32 s5, $0x1;
	s5 =	sadd.s32 s21, s3  }
0x9d: {  	[timem:s7], [sflag:s22] =	dma.local [hbm:s5], s20  }
0x9e: {  	_ =	swait.ge [sflag:s22], s20  }
0x9f: {  	s4 =	ssub.s32 $0x0, s20;
	[sflag:s22] =	ssyncset.done $0x0  }
0xa0: {  	[sflag:s22] =	ssyncadd.s32 s4;
	_ =	sdelay $0x1  }
0xa1: {  	s23 =	simm.s32 $0x1B8B  }
0xa2: {  	_ =	swait.ge [sflag:s23], $0x1  }
0xa3: {  	[sflag:s23] =	ssyncset.done $0x0  }
0xa4: {  	s25 =	simm.s32 $0x1B8E;
	s24 =	sld [smem:$0x3FFE];
	[sflag:s23] =	ssyncadd.s32 $0xFFFFFFFF  }
0xa5: {  	s26 =	simm.s32 $execute0_lowered;
	[smem:$0x3FD2] =	sst s25  }
0xa6: {  	s5 =	sshll.u32 s26, $0x1;
	_ =	strace $0x80000046;
	[dreg:$0x1] =	wrdreg $0xFFFFFFFF  }
0xa7: {  	s28 =	simm.s32 $_size_execute0_lowered;
	s3 =	sadd.s32 s3, s5;
	[dreg:$0x0] =	wrdreg $0x0  }
0xa8: {  	s5 =	sshll.u32 s28, $0x1;
	[dreg:$0x2] =	wrdreg s3  }
0xa9: {  	[dreg:$0x3] =	wrdreg s5  }
0xaa: {  	[dreg:$0x4] =	wrdreg $0xC0  }
0xab: {  	_ =	task [dreg:s7], $0x5FFFF  }
0xac: {  	[dreg:$0x1] =	wrdreg $0xFFFFFFFF  }
0xad: {  	[dreg:$0x0] =	wrdreg $0x60  }
0xae: {  	[dreg:$0x2] =	wrdreg s2  }
0xaf: {  	[dreg:$0x3] =	wrdreg s24  }
0xb0: {  	[dreg:$0x4] =	wrdreg $0x92800  }
0xb1: {  	[dreg:$0x5] =	wrdreg $0x1CB000  }
0xb2: {  	[dreg:$0x6] =	wrdreg $0x9  }
0xb3: {  	_ =	task.clear_ibuf [dreg:s7], $0x7FFFF;
	_ =	strace $0x90000046  }
0xb4: {  	s29 =	simm.s32 $0x9;
	_ =	strace $0x80000048  }
0xb5: {  	_ =	swait.ge [sflag:s29], $0x1  }
0xb6: {  	[sflag:s29] =	ssyncadd.s32 $0xFFFFFFFF  }
0xb7: {  	_ =	strace $0x90000048  }
0xb8: {  	_ =	sfence  }
0xb9: {  	s30 =	sld [smem:$0x0];
	_ =	sdelay $0x2  }
0xba: {  	s31 =	sshll.u32 s1, $0xD;
	s1 =	sshrl.u32 s1, $0x2  }
0xbb: {  	s3 =	sand.u32 $0x4000, s31;
	s1 =	sadd.s32 s1, s30  }
0xbc: {  	s0 =	sor.u32 s3, s0;
	s1 =	sshll.u32 s1, $0x11  }
0xbd: {  	s0 =	sor.u32 s1, s0  }
0xbe: {  	s0 =	sadd.s32 $0x8F2B, s0  }
0xbf: {  	[sflag:s0] =	ssyncadd.remote.s32 $0x1  }
0xc0: {  	_ =	sfence.sel $0xFFFF  }
0xc1: {  	[dreg:$0x0] =	wrdreg $0xFFFFFFFF;
	(pc) =	sbr.abs _section_cstart, $3  }
0xc2: {  	[dreg:$0x1] =	wrdreg $0xFFFFFFFF  }
0xc3: {  	_ =	task.clear_ibuf [dreg:s7], $0x2FFFF;
	_ =	strace $0x9FFFFFFF  }
0xc4: {  	(tm) =	ssettm $0x7FFFFFFF  }
0xc5: {  	_ =	shalt  }
tec
execute0_lowered:
.L_overlay_start_1:
0x0: {  	(tag) =	ssettag $0x1  }
0x1: {  	s1 =	rddreg [dreg:$0x0]  }
0x2: {  	s0 =	rddreg [dreg:$0x1]  }
0x3: {  	s2 =	rddreg [dreg:$0x2]  }
0x4: {  	s3 =	rddreg [dreg:$0x3]  }
0x5: {  	s4 =	simm.s32 $0x0;
	s5 =	stileid.u32;
	s9 =	srdreg.scid  }
0x6: {  	s28 =	simm.s32 $0x1;
	s29 =	simm.s32 $0x2;
	s30 =	simm.s32 $0x40  }
0x7: {  	s31 =	simm.s32 $0x4E80;
	[smem:$0x7FF] =	sst s4;
	s8 =	sadd.s32 $0x6400, s0  }
0x8: {  	s11 =	sadd.s32 $0x1400, s0;
	s6 =	sadd.s32 $0xBC00, s0;
	s12 =	smul.u32 $0x2780, s5  }
0x9: {  	s7 =	sadd.s32 $0xB600, s0;
	s10 =	sadd.s32 $0xB400, s0;
	s16 =	sand.u32 $0x1, s9  }
0xa: {  	s17 =	sadd.s32 $0x13400, s0;
	s13 =	smul.u32 $0x4F000, s5;
	p0 =	seq.s32 s5, $0xF  }
0xb: {  	p1 =	sne.s32 s5, $0xF;
	s19 =	smul.u32 $0x9E00, s5;
	s9 =	sadd.s32 $0x128400, s2  }
0xc: {  	s21 =	sshll.u32 s5, $0x3;
	p4 =	sgt.u32 s5, $0x3;
	_ =	strace $0x80000047  }
0xd: {  	[dreg:$0x5] =	wrdreg s10;
	s26 =	ssub.s32 $0x2, s16;
	p3 =	seq.s32 s16, $0x0  }
0xe: {  	s23 =	smul.u32 $0x138800, s16;
	p6 =	sne.s32 s16, $0x0;
	s25 =	sshrl.u32 s12, $0x3  }
0xf: {  	s14 =	sshrl.u32 s26, $0x1;
	s15 =	sshrl.u32 s13, $0x2;
	p2 =	por !p3, !p1  }
0x10: {  	s13 =	sshrl.u32 s19, $0x2;
	p3 =	por !p3, !p0;
	s19 =	sor.u32 $0x4E00, s21  }
0x11: {  	s21 =	smul.u32 $0x27100, s16;
	s18 =	sadd.s32 s25, s0;
	s20 =	ssub.s32 s26, s14  }
0x12: {  	s14 =	smul.u32 $0x4E0, s5;
	s10 =	sadd.s32 s15, s2;
	p2 =	por !p2, !p2  }
0x13: {  	s22 =	sadd.s32 s13, s3;
	p3 =	por !p3, !p3;
	s13 =	sadd.s32 $0x25080, s3  }
0x14: {  	s24 =	sshrl.u32 s23, $0x3;
	s23 =	simm.s32 $0x4;
	s25 =	sadd.s32 s12, s21  }
0x15: {  	s26 =	sadd.s32 $0xE400, s18;
	s20 =	smax.u32 s20, $0x1;
	s21 =	simm.s32 $0x2740  }
0x16: {  	s22 =	sshrl.u32 @p2 s22, $0x3;
	s15 =	sadd.s32 s8, s14;
	[dreg:$0xb] =	wrdreg s26  }
0x17: {  	p5 =	por !p2, !p1;
	s14 =	sadd.s32 s11, s14;
	[dreg:$0x6] =	wrdreg s15  }
0x18: {  	s8 =	sadd.s32 s8, s19;
	s26 =	simm.s32 $0x6;
	[dreg:$0x7] =	wrdreg s14  }
0x19: {  	[dreg:$0x8] =	wrdreg s8;
	s15 =	sadd.s32 s11, s19;
	s8 =	sadd.s32 s17, s24  }
.Ltmp0:
0x1a: {  	s11 =	sadd.s32 s17, s25;
	s19 =	sadd.s32 $0x12E10, s0;
	(pc) =	sbr.rel .LBB2_1-.Ltmp0, $4  }
0x1b: {  	s0 =	simm.s32 @!p5 $0x0;
	[dreg:$0x9] =	wrdreg s11;
	s8 =	sadd.s32 $0x25080, s8  }
0x1c: {  	s0 =	simm.s32 @p5 $0x1;
	[dreg:$0xa] =	wrdreg s8;
	s8 =	sadd.s32 s12, s3  }
0x1d: {  	s17 =	simm.s32 $0x3;
	[smem:$0x7FD] =	sst s0;
	s0 =	sshrl.u32 @p2 s8, $0x3  }
0x1e: {  	v0 =	vmov s16;
	s25 =	simm.s32 $0x0;
	[dreg:$0xc] =	wrdreg s0;
	s0 =	simm.s32 $0x6E80  }
.LBB2_13:
0x1f: {  	s8 =	sshll.u32 s5, $0x6  }
0x20: {  	s11 =	sshrl.u32 s9, $0x3;
	s12 =	rddreg [dreg:$0xa];
	s8 =	sor.u32 $0x1C06, s8  }
0x21: {  	[hbm:s12], [sflag:s8] =	dma.local [spmem:s11], $0x2080  }
0x22: {  	_ =	swait.ge [sflag:s26], $0x2080  }
0x23: {  	[sflag:s26] =	ssyncset.done $0x0  }
0x24: {  	[sflag:s26] =	ssyncadd.s32 $0xFFFFDF80  }
.LBB2_14:
0x25: {  	s8 =	sshrl.u32 @p3 s13, $0x3;
	s11 =	simm.s32 @p3 $0x1FC6;
	s25 =	sadd.s32 $0x1, s25  }
0x26: {  	[hbm:s19], [sflag:s11] =	dma.local @p3 [spmem:s8], $0x410  }
0x27: {  	p5 =	sne.s32 s25, s20  }
.Ltmp1:
0x28: {  	_ = 	snop;
	(pc) =	sbr.rel @!p5 .LBB2_15-.Ltmp1, $4  }
0x29: {  	s8 =	simm.s32 @p3 $0x6  }
0x2a: {  	_ =	swait.ge @p3 [sflag:s8], $0x410  }
0x2b: {  	[sflag:s8] =	ssyncset.done @p3 $0x0  }
0x2c: {  	[sflag:s8] =	ssyncadd.s32 @p3 $0xFFFFFBF0  }
.LBB2_1:
0x2d: {  	s8 =	sshrl.u32 @p0 s9, $0x3;
	s11 =	simm.s32 @p0 $0x1FC3  }
0x2e: {  	[spmem:s8], [sflag:s11] =	dma.local @p0 [hbm:s6], $0x2080  }
0x2f: {  	s8 =	sshll.u32 @!p0 s5, $0x6  }
0x30: {  	s11 =	sshrl.u32 @!p0 s10, $0x3;
	s8 =	sor.u32 @!p0 $0x1C03, s8  }
0x31: {  	[spmem:s11], [sflag:s8] =	dma.local @!p0 [hbm:s6], $0x2780  }
0x32: {  	s8 =	rddreg [dreg:$0x6]  }
0x33: {  	[tilespmem:s4], [sflag:$0x1] =	stream.linear.gather [hbm4b:s8+s4], $0x2700, $0x38;
	[tilespmem:$0x1F210] =	vst v63  }
.Ltmp2:
0x34: {  	_ = 	snop;
	(pc) =	sbr.rel @!p3 .LBB2_3-.Ltmp2, $4  }
0x35: {  	s8 =	sshll.u32 @p2 s5, $0x6  }
0x36: {  	s24 =	rddreg [dreg:$0x7];
	s11 =	sor.u32 @p2 $0x1C05, s8  }
0x37: {  	[tilespmem:s21], [sflag:$0x2] =	stream.linear.gather [hbm4b:s24+s4], $0x2700, $0x38;
	[tilespmem:$0x1F210] =	vst v63  }
0x38: {  	[spmem:s22], [sflag:s11] =	dma.local @p2 [hbm:s7], $0x4F0  }
.Ltmp3:
0x39: {  	(pc) =	sbr.rel .LBB2_4-.Ltmp3, $3  }
0x3a: {  	_ =	sdelay $0x1  }
0x3b: {  	s11 =	sshrl.u32 s13, $0x3;
	s12 =	simm.s32 $0x1FC5  }
0x3c: {  	[spmem:s11], [sflag:s12] =	dma.local [hbm:s7], $0x410  }
.LBB2_3:
.Ltmp4:
0x3d: {  	(pc) =	sbr.rel @p6 .LBB2_5-.Ltmp4, $1  }
0x3e: {  	_ =	sdelay $0x3  }
.LBB2_4:
0x3f: {  	s11 =	rddreg [dreg:$0x5];
	s12 =	simm.s32 $0x8E80  }
0x40: {  	[tilespmem:s12], [sflag:$0x6] =	stream.linear.gather [hbm4b:s11+s4], $0x400, $0x38;
	[tilespmem:$0x1F210] =	vst v63  }
0x41: {  	_ =	swait.ge [sflag:s26], $0x400  }
0x42: {  	[sflag:s26] =	ssyncset.done $0x0  }
0x43: {  	[sflag:s26] =	ssyncadd.s32 $0xFFFFFC00  }
.LBB2_5:
0x44: {  	_ =	swait.ge [sflag:s28], $0x2700  }
0x45: {  	[sflag:s28] =	ssyncset.done $0x0  }
0x46: {  	[sflag:s28] =	ssyncadd.s32 $0xFFFFD900  }
0x47: {  	_ =	swait.ge [sflag:s29], $0x2700  }
0x48: {  	s11 =	simm.s32 @!p4 $0x0;
	[sflag:s29] =	ssyncset.done $0x0  }
0x49: {  	s12 =	simm.s32 @!p4 $0x2700;
	s14 =	rddreg [dreg:$0x8];
	[sflag:s29] =	ssyncadd.s32 $0xFFFFD900  }
0x4a: {  	[tilespmem:s12], [sflag:$0x6] =	stream.linear.gather @!p4 [hbm4b:s14+s11], $0x40, $0x38;
	[tilespmem:$0x1F210] =	vst v63  }
0x4b: {  	s12 =	simm.s32 @!p4 $0x6  }
0x4c: {  	_ =	swait.ge @!p4 [sflag:s12], $0x40  }
0x4d: {  	[sflag:s12] =	ssyncset.done @!p4 $0x0  }
0x4e: {  	s16 =	simm.s32 @!p4 $0x4E40;
	[sflag:s12] =	ssyncadd.s32 @!p4 $0xFFFFFFC0  }
0x4f: {  	[tilespmem:s16], [sflag:$0x6] =	stream.linear.gather @!p4 [hbm4b:s15+s11], $0x40, $0x38;
	[tilespmem:$0x1F210] =	vst v63  }
0x50: {  	_ =	swait.ge @!p4 [sflag:s12], $0x40  }
0x51: {  	[sflag:s12] =	ssyncset.done @!p4 $0x0  }
0x52: {  	s11 =	simm.s32 $0x0;
	[sflag:s12] =	ssyncadd.s32 @!p4 $0xFFFFFFC0  }
0x53: {  	v2 =	vld [tilespmem:s11+$0x0]  }
0x54: {  	v3 =	vld [tilespmem:s11+$0x10]  }
0x55: {  	s16 =	simm.s32 $0x100;
	v1 =	vld [tilespmem:s11+$0x20]  }
.LBB2_6:
0x56: {  	p5 =	sne.s32 s16, $0x9C00;
	v4 =	vld [tilespmem:s11+$0x30];
	_ =	sdelay $0x1  }
0x57: {  	v2 =	vshll.u32 v2, $0x1  }
.Ltmp5:
0x58: {  	v2 =	vor.u32 v0, v2;
	v3 =	vshll.u32 v3, $0x1;
	(pc) =	sbr.rel @p5 .LBB2_6-.Ltmp5, $4  }
0x59: {  	s12 =	sshra.s32 s16, $0x2;
	[tilespmem:s11+$0x0] =	vst v2;
	v3 =	vor.u32 v0, v3;
	v1 =	vshll.u32 v1, $0x1  }
0x5a: {  	v2 =	vld [tilespmem:s12+$0x0];
	[tilespmem:s11+$0x10] =	vst v3;
	v1 =	vor.u32 v0, v1;
	v4 =	vshll.u32 v4, $0x1  }
0x5b: {  	v3 =	vld [tilespmem:s12+$0x10];
	[tilespmem:s11+$0x20] =	vst v1;
	v4 =	vor.u32 v0, v4  }
0x5c: {  	s16 =	sadd.s32 $0x100, s16;
	v1 =	vld [tilespmem:s12+$0x20];
	[tilespmem:s11+$0x30] =	vst v4;
	s11 =	smov.u32 s12  }
0x5d: {  	v4 =	vld [tilespmem:s11+$0x30];
	_ =	sdelay $0x1  }
0x5e: {  	v2 =	vshll.u32 v2, $0x1  }
0x5f: {  	v2 =	vor.u32 v0, v2;
	v3 =	vshll.u32 v3, $0x1  }
0x60: {  	[tilespmem:s11+$0x0] =	vst v2;
	v2 =	vor.u32 v0, v3;
	v1 =	vshll.u32 v1, $0x1  }
0x61: {  	[tilespmem:s11+$0x10] =	vst v2;
	v1 =	vor.u32 v0, v1;
	v2 =	vshll.u32 v4, $0x1  }
0x62: {  	[tilespmem:s11+$0x20] =	vst v1;
	v1 =	vor.u32 v0, v2  }
0x63: {  	[tilespmem:s11+$0x30] =	vst v1;
	s11 =	simm.s32 @p1 $0x3  }
0x64: {  	_ =	swait.ge @p1 [sflag:s11], $0x2780  }
0x65: {  	s24 =	sld [smem:$0x7FD];
	_ =	sdelay $0x2  }
0x66: {  	[sflag:s11] =	ssyncset.done @p1 $0x0;
	p5 =	seq.s32 s24, $0x1  }
0x67: {  	[sflag:s11] =	ssyncadd.s32 @p1 $0xFFFFD880;
	s11 =	simm.s32 @!p5 $0x5  }
0x68: {  	_ =	swait.ge @!p5 [sflag:s11], $0x4F0  }
0x69: {  	[sflag:s11] =	ssyncset.done @!p5 $0x0  }
0x6a: {  	[sflag:s11] =	ssyncadd.s32 @!p5 $0xFFFFFB10;
	s11 =	simm.s32 @!p1 $0x3  }
0x6b: {  	_ =	swait.ge @!p1 [sflag:s11], $0x2080  }
0x6c: {  	[sflag:s11] =	ssyncset.done @!p1 $0x0  }
0x6d: {  	[sflag:s11] =	ssyncadd.s32 @!p1 $0xFFFFDF80;
	s11 =	simm.s32 @p3 $0x5  }
0x6e: {  	_ =	swait.ge @p3 [sflag:s11], $0x410  }
0x6f: {  	[sflag:s11] =	ssyncset.done @p3 $0x0  }
0x70: {  	[sflag:s11] =	ssyncadd.s32 @p3 $0xFFFFFBF0  }
0x71: {  	[bflag:$0x0] =	sbarrier.arrive $0xFFFF  }
0x72: {  	[tilespmem:s31], [sflag:$0x1] =	stream.indirect.gather [hbm4b:s1+s30], $0x80, s4, s30, $0xb8;
	[tilespmem:$0x1F210] =	vst v63  }
0x73: {  	_ = 	snop  }
0x74: {  	[tilespmem:s0], [sflag:$0x2] =	stream.indirect.gather [hbm4b:s1+s30], $0x80, s30, s30, $0xb8;
	[tilespmem:$0x1F210] =	vst v63  }
0x75: {  	_ =	swait.ge [sflag:s28], $0x2000  }
0x76: {  	[sflag:s28] =	ssyncset.done $0x0  }
0x77: {  	s11 =	simm.s32 @p6 $0x3;
	[sflag:s28] =	ssyncadd.s32 $0xFFFFE000  }
0x78: {  	[spmem:s2] =	stream.indirect.scatter.add.f32 [tilespmem:s31], [sflag:$0x3], $0x80, s21, s30, $0xb8;
	[tilespmem:$0x1F210] =	vst v63  }
0x79: {  	_ =	swait.ge @p6 [sflag:s11], $0x2000  }
0x7a: {  	s12 =	simm.s32 @p6 $0x80;
	[sflag:s11] =	ssyncset.done @p6 $0x0  }
0x7b: {  	s16 =	simm.s32 @p6 $0x4E80;
	[sflag:s11] =	ssyncadd.s32 @p6 $0xFFFFE000;
	s11 =	simm.s32 @p6 $0x40  }
0x7c: {  	[tilespmem:s16], [sflag:$0x1] =	stream.indirect.gather @p6 [hbm4b:s1+s11], $0x80, s12, s11, $0xb8;
	[tilespmem:$0x1F210] =	vst v63  }
0x7d: {  	s12 =	simm.s32 @p6 $0x2  }
0x7e: {  	_ =	swait.ge @p6 [sflag:s12], $0x2000  }
0x7f: {  	[sflag:s12] =	ssyncset.done @p6 $0x0  }
0x80: {  	s16 =	simm.s32 @p6 $0x6E80;
	[sflag:s12] =	ssyncadd.s32 @p6 $0xFFFFE000;
	s12 =	simm.s32 @p6 $0x2780  }
0x81: {  	[spmem:s2] =	stream.indirect.scatter.add.f32 @p6 [tilespmem:s16], [sflag:$0x4], $0x80, s12, s11, $0xb8;
	[tilespmem:$0x1F210] =	vst v63  }
0x82: {  	s18 =	simm.s32 @!p6 $0x8E80;
	s16 =	simm.s32 @!p6 $0x40;
	s11 =	simm.s32 @!p6 $0x2740  }
0x83: {  	[spmem:s3] =	stream.indirect.scatter.add.f32 @!p6 [tilespmem:s18], [sflag:$0x5], $0x10, s11, s16, $0xb8;
	[tilespmem:$0x1F210] =	vst v63  }
0x84: {  	s11 =	simm.s32 @!p6 $0x3  }
0x85: {  	_ =	swait.ge @!p6 [sflag:s11], $0x2000  }
0x86: {  	[sflag:s11] =	ssyncset.done @!p6 $0x0  }
0x87: {  	s12 =	simm.s32 @!p6 $0x4E80;
	[sflag:s11] =	ssyncadd.s32 @!p6 $0xFFFFE000;
	s11 =	simm.s32 @!p6 $0x80  }
0x88: {  	[tilespmem:s12], [sflag:$0x1] =	stream.indirect.gather @!p6 [hbm4b:s1+s16], $0x80, s11, s16, $0xb8;
	[tilespmem:$0x1F210] =	vst v63  }
0x89: {  	s11 =	simm.s32 @!p6 $0x2  }
0x8a: {  	_ =	swait.ge @!p6 [sflag:s11], $0x2000  }
0x8b: {  	s24 =	simm.s32 @!p6 $0x5;
	[sflag:s11] =	ssyncset.done @!p6 $0x0  }
0x8c: {  	s12 =	simm.s32 @!p6 $0x6E80;
	[sflag:s11] =	ssyncadd.s32 @!p6 $0xFFFFE000;
	s11 =	simm.s32 @!p6 $0x2780  }
0x8d: {  	[spmem:s2] =	stream.indirect.scatter.add.f32 @!p6 [tilespmem:s12], [sflag:$0x4], $0x80, s11, s16, $0xb8;
	[tilespmem:$0x1F210] =	vst v63  }
0x8e: {  	_ =	swait.ge @!p6 [sflag:s24], $0x400  }
0x8f: {  	[sflag:s24] =	ssyncset.done @!p6 $0x0  }
0x90: {  	[sflag:s24] =	ssyncadd.s32 @!p6 $0xFFFFFC00  }
0x91: {  	[spmem:s3] =	stream.indirect.scatter.add.f32 @!p6 [tilespmem:s18], [sflag:$0x5], $0x10, s11, s16, $0xb8;
	[tilespmem:$0x1F210] =	vst v63  }
0x92: {  	_ =	swait.ge [sflag:s23], $0x2000  }
0x93: {  	[sflag:s23] =	ssyncset.done $0x0  }
0x94: {  	s12 =	simm.s32 $0xC0;
	[sflag:s23] =	ssyncadd.s32 $0xFFFFE000  }
0x95: {  	[tilespmem:s0], [sflag:$0x2] =	stream.indirect.gather [hbm4b:s1+s30], $0x80, s12, s30, $0xb8;
	[tilespmem:$0x1F210] =	vst v63  }
0x96: {  	_ =	swait.ge [sflag:s28], $0x2000  }
0x97: {  	[sflag:s28] =	ssyncset.done $0x0  }
0x98: {  	s11 =	simm.s32 $0x27C0;
	[sflag:s28] =	ssyncadd.s32 $0xFFFFE000  }
0x99: {  	[spmem:s2] =	stream.indirect.scatter.add.f32 [tilespmem:s31], [sflag:$0x3], $0x80, s11, s30, $0xb8;
	[tilespmem:$0x1F210] =	vst v63  }
0x9a: {  	_ =	swait.ge @!p6 [sflag:s24], $0x400  }
0x9b: {  	[sflag:s24] =	ssyncset.done @!p6 $0x0  }
0x9c: {  	[sflag:s24] =	ssyncadd.s32 @!p6 $0xFFFFFC00  }
0x9d: {  	[spmem:s3] =	stream.indirect.scatter.add.f32 @!p6 [tilespmem:s18], [sflag:$0x5], $0x10, s11, s16, $0xb8;
	[tilespmem:$0x1F210] =	vst v63  }
0x9e: {  	_ =	swait.ge [sflag:s17], $0x2000  }
0x9f: {  	[sflag:s17] =	ssyncset.done $0x0  }
0xa0: {  	s14 =	simm.s32 $0x100;
	[sflag:s17] =	ssyncadd.s32 $0xFFFFE000  }
0xa1: {  	[tilespmem:s31], [sflag:$0x1] =	stream.indirect.gather [hbm4b:s1+s30], $0x80, s14, s30, $0xb8;
	[tilespmem:$0x1F210] =	vst v63  }
0xa2: {  	_ =	swait.ge [sflag:s29], $0x2000  }
0xa3: {  	[sflag:s29] =	ssyncset.done $0x0  }
0xa4: {  	s12 =	simm.s32 $0x2800;
	[sflag:s29] =	ssyncadd.s32 $0xFFFFE000  }
0xa5: {  	[spmem:s2] =	stream.indirect.scatter.add.f32 [tilespmem:s0], [sflag:$0x4], $0x80, s12, s30, $0xb8;
	[tilespmem:$0x1F210] =	vst v63  }
0xa6: {  	_ =	swait.ge @!p6 [sflag:s24], $0x400  }
0xa7: {  	[sflag:s24] =	ssyncset.done @!p6 $0x0  }
0xa8: {  	s11 =	simm.s32 $0xFFFF6A00;
	[sflag:s24] =	ssyncadd.s32 @!p6 $0xFFFFFC00  }
.LBB2_8:
0xa9: {  	[spmem:s3] =	stream.indirect.scatter.add.f32 @!p6 [tilespmem:s18], [sflag:$0x5], $0x10, s12, s16, $0xb8;
	[tilespmem:$0x1F210] =	vst v63  }
0xaa: {  	s12 =	smov.u32 s11;
	s11 =	sadd.s32 $0x200, s11;
	_ =	swait.ge [sflag:s23], $0x2000  }
0xab: {  	s12 =	sshra.s32 s12, $0x2;
	p5 =	sne.s32 s11, $0x0;
	[sflag:s23] =	ssyncset.done $0x0  }
0xac: {  	s14 =	sadd.s32 $0x26C0, s12;
	[sflag:s23] =	ssyncadd.s32 $0xFFFFE000  }
0xad: {  	[tilespmem:s0], [sflag:$0x2] =	stream.indirect.gather [hbm4b:s1+s30], $0x80, s14, s30, $0xb8;
	[tilespmem:$0x1F210] =	vst v63  }
0xae: {  	_ =	swait.ge [sflag:s28], $0x2000  }
0xaf: {  	[sflag:s28] =	ssyncset.done $0x0  }
0xb0: {  	s14 =	sadd.s32 $0x4DC0, s12;
	[sflag:s28] =	ssyncadd.s32 $0xFFFFE000  }
0xb1: {  	[spmem:s2] =	stream.indirect.scatter.add.f32 [tilespmem:s31], [sflag:$0x3], $0x80, s14, s30, $0xb8;
	[tilespmem:$0x1F210] =	vst v63  }
0xb2: {  	_ =	swait.ge @!p6 [sflag:s24], $0x400  }
0xb3: {  	[sflag:s24] =	ssyncset.done @!p6 $0x0  }
0xb4: {  	[sflag:s24] =	ssyncadd.s32 @!p6 $0xFFFFFC00  }
0xb5: {  	[spmem:s3] =	stream.indirect.scatter.add.f32 @!p6 [tilespmem:s18], [sflag:$0x5], $0x10, s14, s16, $0xb8;
	[tilespmem:$0x1F210] =	vst v63  }
0xb6: {  	_ =	swait.ge [sflag:s17], $0x2000  }
0xb7: {  	[sflag:s17] =	ssyncset.done $0x0  }
0xb8: {  	s14 =	sadd.s32 $0x2700, s12;
	[sflag:s17] =	ssyncadd.s32 $0xFFFFE000  }
0xb9: {  	[tilespmem:s31], [sflag:$0x1] =	stream.indirect.gather [hbm4b:s1+s30], $0x80, s14, s30, $0xb8;
	[tilespmem:$0x1F210] =	vst v63  }
0xba: {  	_ =	swait.ge [sflag:s29], $0x2000  }
0xbb: {  	[sflag:s29] =	ssyncset.done $0x0  }
.Ltmp6:
0xbc: {  	s12 =	sadd.s32 $0x4E00, s12;
	[sflag:s29] =	ssyncadd.s32 $0xFFFFE000;
	(pc) =	sbr.rel @p5 .LBB2_8-.Ltmp6, $4  }
0xbd: {  	[spmem:s2] =	stream.indirect.scatter.add.f32 [tilespmem:s0], [sflag:$0x4], $0x80, s12, s30, $0xb8;
	[tilespmem:$0x1F210] =	vst v63  }
0xbe: {  	_ =	swait.ge @!p6 [sflag:s24], $0x400  }
0xbf: {  	[sflag:s24] =	ssyncset.done @!p6 $0x0  }
0xc0: {  	[sflag:s24] =	ssyncadd.s32 @!p6 $0xFFFFFC00  }
0xc1: {  	[spmem:s3] =	stream.indirect.scatter.add.f32 @!p6 [tilespmem:s18], [sflag:$0x5], $0x10, s12, s16, $0xb8;
	[tilespmem:$0x1F210] =	vst v63  }
0xc2: {  	_ =	swait.ge [sflag:s23], $0x2000  }
0xc3: {  	[sflag:s23] =	ssyncset.done $0x0  }
0xc4: {  	s11 =	simm.s32 $0x26C0;
	[sflag:s23] =	ssyncadd.s32 $0xFFFFE000  }
0xc5: {  	[tilespmem:s0], [sflag:$0x2] =	stream.indirect.gather [hbm4b:s1+s30], $0x80, s11, s30, $0xb8;
	[tilespmem:$0x1F210] =	vst v63  }
0xc6: {  	_ =	swait.ge [sflag:s28], $0x2000  }
0xc7: {  	[sflag:s28] =	ssyncset.done $0x0  }
0xc8: {  	s24 =	simm.s32 $0x4DC0;
	s11 =	simm.s32 @p6 $0x3;
	[sflag:s28] =	ssyncadd.s32 $0xFFFFE000  }
0xc9: {  	[spmem:s2] =	stream.indirect.scatter.add.f32 [tilespmem:s31], [sflag:$0x3], $0x80, s24, s30, $0xb8;
	[tilespmem:$0x1F210] =	vst v63  }
0xca: {  	_ =	swait.ge @p6 [sflag:s11], $0x2000  }
0xcb: {  	[sflag:s11] =	ssyncset.done @p6 $0x0  }
0xcc: {  	[sflag:s11] =	ssyncadd.s32 @p6 $0xFFFFE000;
	s11 =	simm.s32 @p6 $0x2  }
0xcd: {  	_ =	swait.ge @p6 [sflag:s11], $0x2000  }
0xce: {  	s12 =	simm.s32 @p6 $0x4E00;
	[sflag:s11] =	ssyncset.done @p6 $0x0  }
0xcf: {  	s14 =	simm.s32 @p6 $0x6E80;
	[sflag:s11] =	ssyncadd.s32 @p6 $0xFFFFE000;
	s11 =	simm.s32 @p6 $0x40  }
0xd0: {  	[spmem:s2] =	stream.indirect.scatter.add.f32 @p6 [tilespmem:s14], [sflag:$0x4], $0x80, s12, s11, $0xb8;
	[tilespmem:$0x1F210] =	vst v63  }
0xd1: {  	s11 =	simm.s32 @p6 $0x4  }
0xd2: {  	_ =	swait.ge @p6 [sflag:s11], $0x2000  }
0xd3: {  	[sflag:s11] =	ssyncset.done @p6 $0x0  }
0xd4: {  	[sflag:s11] =	ssyncadd.s32 @p6 $0xFFFFE000;
	s11 =	simm.s32 @!p6 $0x5  }
0xd5: {  	_ =	swait.ge @!p6 [sflag:s11], $0x400  }
0xd6: {  	s16 =	simm.s32 @!p6 $0x40;
	[sflag:s11] =	ssyncset.done @!p6 $0x0  }
0xd7: {  	s18 =	simm.s32 @!p6 $0x8E80;
	s12 =	simm.s32 @!p6 $0x4DC0;
	[sflag:s11] =	ssyncadd.s32 @!p6 $0xFFFFFC00  }
0xd8: {  	[spmem:s3] =	stream.indirect.scatter.add.f32 @!p6 [tilespmem:s18], [sflag:$0x5], $0x10, s12, s16, $0xb8;
	[tilespmem:$0x1F210] =	vst v63  }
0xd9: {  	s12 =	simm.s32 @!p6 $0x3  }
0xda: {  	_ =	swait.ge @!p6 [sflag:s12], $0x2000  }
0xdb: {  	[sflag:s12] =	ssyncset.done @!p6 $0x0  }
0xdc: {  	[sflag:s12] =	ssyncadd.s32 @!p6 $0xFFFFE000;
	s12 =	simm.s32 @!p6 $0x2  }
0xdd: {  	_ =	swait.ge @!p6 [sflag:s12], $0x2000  }
0xde: {  	[sflag:s12] =	ssyncset.done @!p6 $0x0  }
0xdf: {  	s14 =	simm.s32 @!p6 $0x6E80;
	[sflag:s12] =	ssyncadd.s32 @!p6 $0xFFFFE000;
	s12 =	simm.s32 @!p6 $0x4E00  }
0xe0: {  	[spmem:s2] =	stream.indirect.scatter.add.f32 @!p6 [tilespmem:s14], [sflag:$0x4], $0x80, s12, s16, $0xb8;
	[tilespmem:$0x1F210] =	vst v63  }
0xe1: {  	_ =	swait.ge @!p6 [sflag:s11], $0x400  }
0xe2: {  	[sflag:s11] =	ssyncset.done @!p6 $0x0  }
0xe3: {  	[sflag:s11] =	ssyncadd.s32 @!p6 $0xFFFFFC00  }
0xe4: {  	[spmem:s3] =	stream.indirect.scatter.add.f32 @!p6 [tilespmem:s18], [sflag:$0x5], $0x10, s12, s16, $0xb8;
	[tilespmem:$0x1F210] =	vst v63  }
0xe5: {  	s12 =	simm.s32 @!p6 $0x4  }
0xe6: {  	_ =	swait.ge @!p6 [sflag:s12], $0x2000  }
.Ltmp7:
0xe7: {  	[sflag:s12] =	ssyncset.done @!p6 $0x0;
	(pc) =	sbr.rel @p4 .LBB2_12-.Ltmp7, $4  }
0xe8: {  	[sflag:s12] =	ssyncadd.s32 @!p6 $0xFFFFE000  }
0xe9: {  	_ =	swait.ge @!p6 [sflag:s11], $0x400  }
0xea: {  	[sflag:s11] =	ssyncset.done @!p6 $0x0  }
0xeb: {  	[sflag:s11] =	ssyncadd.s32 @!p6 $0xFFFFFC00  }
0xec: {  	s12 =	simm.s32 $0x2700  }
0xed: {  	[tilespmem:s31], [sflag:$0x1] =	stream.indirect.gather [hbm4b:s1+s30], $0x80, s12, s30, $0xb8;
	[tilespmem:$0x1F210] =	vst v63  }
0xee: {  	_ =	swait.ge [sflag:s28], $0x2000  }
0xef: {  	[sflag:s28] =	ssyncset.done $0x0  }
0xf0: {  	s24 =	simm.s32 $0x4E40;
	[sflag:s28] =	ssyncadd.s32 $0xFFFFE000  }
0xf1: {  	[spmem:s2] =	stream.indirect.scatter.add.f32 [tilespmem:s31], [sflag:$0x3], $0x80, s24, s30, $0xb8;
	[tilespmem:$0x1F210] =	vst v63  }
0xf2: {  	_ =	swait.ge [sflag:s17], $0x2000  }
0xf3: {  	[sflag:s17] =	ssyncset.done $0x0  }
0xf4: {  	s12 =	simm.s32 @!p6 $0x4E40;
	[sflag:s17] =	ssyncadd.s32 $0xFFFFE000  }
0xf5: {  	[spmem:s3] =	stream.indirect.scatter.add.f32 @!p6 [tilespmem:s18], [sflag:$0x5], $0x10, s12, s16, $0xb8;
	[tilespmem:$0x1F210] =	vst v63  }
.Ltmp8:
0xf6: {  	_ =	swait.ge @!p6 [sflag:s11], $0x400;
	(pc) =	sbr.rel .LBB2_11-.Ltmp8, $3  }
0xf7: {  	[sflag:s11] =	ssyncset.done @!p6 $0x0  }
0xf8: {  	[sflag:s11] =	ssyncadd.s32 @!p6 $0xFFFFFC00  }
0xf9: {  	[bflag:$0x0] =	sbarrier.arrive $0xFFFF;
	_ =	sdelay $0x1  }
.LBB2_12:
.Ltmp9:
0xfa: {  	(pc) =	sbr.rel @!p1 .LBB2_13-.Ltmp9, $2  }
0xfb: {  	_ =	sdelay $0x1  }
0xfc: {  	[bflag:$0x0] =	sbarrier.arrive $0xFFFF;
	_ =	sdelay $0x1  }
.LBB2_11:
0xfd: {  	s11 =	sshll.u32 s5, $0x6  }
0xfe: {  	s12 =	sshrl.u32 s10, $0x3;
	s14 =	rddreg [dreg:$0x9];
	s11 =	sor.u32 $0x1C06, s11  }
0xff: {  	[hbm:s14], [sflag:s11] =	dma.local [spmem:s12], $0x2780  }
0x100: {  	_ =	swait.ge [sflag:s26], $0x2780  }
0x101: {  	[sflag:s26] =	ssyncset.done $0x0;
	s11 =	rddreg [dreg:$0xb]  }
0x102: {  	s8 =	sor.u32 @p2 $0x1C06, s8;
	s12 =	rddreg [dreg:$0xc];
	[sflag:s26] =	ssyncadd.s32 $0xFFFFD880  }
0x103: {  	[hbm:s11], [sflag:s8] =	dma.local @p2 [spmem:s12], $0x4F0  }
.Ltmp10:
0x104: {  	_ = 	snop;
	(pc) =	sbr.rel .LBB2_14-.Ltmp10, $4  }
0x105: {  	s8 =	simm.s32 @p2 $0x6  }
0x106: {  	_ =	swait.ge @p2 [sflag:s8], $0x4F0  }
0x107: {  	[sflag:s8] =	ssyncset.done @p2 $0x0  }
0x108: {  	[sflag:s8] =	ssyncadd.s32 @p2 $0xFFFFFB10  }
.LBB2_15:
0x109: {  	_ =	sfence.sel $0x180000  }
0x10a: {  	[bflag:$0x0] =	sbarrier.arrive $0xFFFF  }
0x10b: {  	_ =	strace $0x90000047  }
0x10c: {  	[bflag:$0x2] =	sbarrier.arrive $0xFFFF  }
0x10d: {  	p0 =	sne.s32 s5, $0x0;
	s0 =	rddreg [dreg:$0x4]  }
0x10e: {  	s0 =	sadd.s32 @!p0 $0x100000, s0  }
0x10f: {  	[sflag:s0] =	ssyncadd.tile.s32 @!p0 $0x1;
	_ =	shalt  }
.Lfunc_end2:
_tile_overlayer_lowered:
.L_overlay_start_2:
0x110: {  	(tag) =	ssettag $0x2  }
0x111: {  	s0 =	rddreg [dreg:$0x0];
	s2 =	stileid.u32  }
0x112: {  	s1 =	rddreg [dreg:$0x1];
	p0 =	sne.s32 s2, $0x0  }
0x113: {  	s3 =	rddreg [dreg:$0x2];
	[bflag:$0x3] =	sbarrier.arrive $0xFFFF;
	s2 =	simm.s32 @!p0 $0x1C06  }
0x114: {  	[timem:s3], [sflag:s2] =	dma.local @!p0 [hbm:s0], s1  }
0x115: {  	s0 =	simm.s32 @!p0 $0x6  }
0x116: {  	_ =	swait.ge @!p0 [sflag:s0], s1  }
0x117: {  	s1 =	ssub.s32 @!p0 $0x0, s1;
	[sflag:s0] =	ssyncset.done @!p0 $0x0  }
0x118: {  	[sflag:s0] =	ssyncadd.s32 @!p0 s1  }
0x119: {  	[bflag:$0x3] =	sbarrier.arrive $0xFFFF  }
0x11a: {  	_ =	shalt  }

</sc_bundles>
